<compile_context>
chip_gen: v7x
topology: tpu7x:2x2x1
jax: 0.10.2.dev20260603
libtpu: 0.0.44.dev20260713+nightly
codegen_flags: <defaults>
</compile_context>

<pallas_src>
import functools

import jax
import jax.numpy as jnp
from jax import lax
from jax.experimental import pallas as pl
from jax.experimental.pallas import tpu as pltpu
from jax.experimental.pallas import tpu_sc as plsc

N_NODES_ = 10000
N_EDGES_ = 320000
FEAT_ = 128
HFEAT_ = FEAT_ // 2
NC_ = 2
NS_ = 16
CHUNK_ = 125
CHUNKS_ = 160
EDGES_PER_SUB_ = CHUNKS_ * CHUNK_
ACC_ROWS_ = N_NODES_ + 16
NBUF_ = 4
ROWS_PER_TILE_ = N_NODES_ // NS_


def _sc_agg_body(x_hbm, src_hbm, dst_hbm, zero_hbm, zcnt_hbm,
                 ones_hbm, psum_hbm, pcnt_hbm,
                 src_v, dst_v, rows0_v, rows1_v, rows2_v, rows3_v,
                 ones_v, acc_sh, cnt_sh, sem0, sem1, sem2, sem3):
    c = lax.axis_index("c")
    s = lax.axis_index("s")
    wid = c * NS_ + s
    xv = x_hbm.at[c]
    rows = (rows0_v, rows1_v, rows2_v, rows3_v)
    sems = (sem0, sem1, sem2, sem3)

    base = s * ROWS_PER_TILE_
    pltpu.sync_copy(zero_hbm, acc_sh.at[pl.ds(base, ROWS_PER_TILE_)])
    pltpu.sync_copy(zcnt_hbm, cnt_sh.at[pl.ds(base, ROWS_PER_TILE_)])

    pltpu.sync_copy(ones_hbm, ones_v)
    pltpu.sync_copy(src_hbm.at[s], src_v)
    pltpu.sync_copy(dst_hbm.at[s], dst_v)
    plsc.subcore_barrier()

    def process(m, b):
        pltpu.make_async_copy(xv.at[src_v.at[m]], rows[b], sems[b]).wait()
        pltpu.sync_copy(rows[b], acc_sh.at[dst_v.at[m]], add=True)
        @pl.when(c == b % 2)
        def _():
            pltpu.sync_copy(ones_v, cnt_sh.at[dst_v.at[m]], add=True)

    for b in range(NBUF_):
        pltpu.async_copy(xv.at[src_v.at[b]], rows[b], sems[b])

    @pl.loop(NBUF_, CHUNKS_, step=NBUF_)
    def _(j):
        for b in range(NBUF_):
            process(j - NBUF_ + b, b)
            pltpu.async_copy(xv.at[src_v.at[j + b]], rows[b], sems[b])

    for b in range(NBUF_):
        process(CHUNKS_ - NBUF_ + b, b)

    plsc.subcore_barrier()

    pltpu.sync_copy(acc_sh.at[pl.ds(base, ROWS_PER_TILE_)], psum_hbm.at[wid])
    pltpu.sync_copy(cnt_sh.at[pl.ds(base, ROWS_PER_TILE_)], pcnt_hbm.at[wid])


_sc_agg = functools.partial(
    pl.kernel,
    out_type=(
        jax.ShapeDtypeStruct((NC_ * NS_, ROWS_PER_TILE_, HFEAT_), jnp.float32),
        jax.ShapeDtypeStruct((NC_ * NS_, ROWS_PER_TILE_, 16), jnp.float32),
    ),
    mesh=plsc.VectorSubcoreMesh(core_axis_name="c", subcore_axis_name="s"),
    scratch_types=[
        pltpu.VMEM((CHUNKS_, CHUNK_), jnp.int32),
        pltpu.VMEM((CHUNKS_, CHUNK_), jnp.int32),
        pltpu.VMEM((CHUNK_, HFEAT_), jnp.float32),
        pltpu.VMEM((CHUNK_, HFEAT_), jnp.float32),
        pltpu.VMEM((CHUNK_, HFEAT_), jnp.float32),
        pltpu.VMEM((CHUNK_, HFEAT_), jnp.float32),
        pltpu.VMEM((CHUNK_, 16), jnp.float32),
        pltpu.VMEM_SHARED((ACC_ROWS_, HFEAT_), jnp.float32),
        pltpu.VMEM_SHARED((ACC_ROWS_, 16), jnp.float32),
        pltpu.SemaphoreType.DMA,
        pltpu.SemaphoreType.DMA,
        pltpu.SemaphoreType.DMA,
        pltpu.SemaphoreType.DMA,
    ],
    compiler_params=pltpu.CompilerParams(use_tc_tiling_on_sc=False),
)(_sc_agg_body)


_TC_ROWS = 2000


def _tc_prologue_body(x_ref, w_ref, nr_ref, xh_ref):
    xb = x_ref[...]
    nr = jnp.dot(xb, w_ref[...], preferred_element_type=jnp.float32,
                 precision=lax.Precision.HIGHEST)
    nr_ref[...] = jnp.maximum(nr, 0.0)
    h = _TC_ROWS // 2
    xh_ref[0] = jnp.concatenate([xb[:h, :HFEAT_], xb[h:, :HFEAT_]], axis=1)
    xh_ref[1] = jnp.concatenate([xb[:h, HFEAT_:], xb[h:, HFEAT_:]], axis=1)


def _tc_prologue(x2d, W):
    return pl.pallas_call(
        _tc_prologue_body,
        grid=(N_NODES_ // _TC_ROWS,),
        in_specs=[
            pl.BlockSpec((_TC_ROWS, FEAT_), lambda i: (i, 0)),
            pl.BlockSpec((FEAT_, FEAT_), lambda i: (0, 0)),
        ],
        out_specs=[
            pl.BlockSpec((_TC_ROWS, FEAT_), lambda i: (i, 0)),
            pl.BlockSpec((NC_, _TC_ROWS // 2, FEAT_), lambda i: (0, i, 0)),
        ],
        out_shape=[
            jax.ShapeDtypeStruct((N_NODES_, FEAT_), jnp.float32),
            jax.ShapeDtypeStruct((NC_, N_NODES_ // 2, FEAT_), jnp.float32),
        ],
    )(x2d, W)


def _tc_epilogue_body(nr_ref, w_ref, ps_ref, pc_ref, o_ref):
    ps = ps_ref[...]
    s0 = jnp.concatenate([ps[0, :, :HFEAT_], ps[0, :, HFEAT_:]], axis=0)
    s1 = jnp.concatenate([ps[1, :, :HFEAT_], ps[1, :, HFEAT_:]], axis=0)
    ssum = jnp.concatenate([s0, s1], axis=-1)
    cnt = pc_ref[...]
    agg = ssum / jnp.maximum(cnt, 1.0)
    am = jnp.dot(agg, w_ref[...], preferred_element_type=jnp.float32,
                 precision=lax.Precision.HIGHEST)
    o_ref[...] = jnp.concatenate([nr_ref[...], jnp.maximum(am, 0.0)], axis=-1)


def _tc_epilogue(nr, W, psum, pcnt):
    return pl.pallas_call(
        _tc_epilogue_body,
        grid=(N_NODES_ // _TC_ROWS,),
        in_specs=[
            pl.BlockSpec((_TC_ROWS, FEAT_), lambda i: (i, 0)),
            pl.BlockSpec((FEAT_, FEAT_), lambda i: (0, 0)),
            pl.BlockSpec((NC_, _TC_ROWS // 2, FEAT_), lambda i: (0, i, 0)),
            pl.BlockSpec((_TC_ROWS, 1), lambda i: (i, 0)),
        ],
        out_specs=pl.BlockSpec((_TC_ROWS, 2 * FEAT_), lambda i: (i, 0)),
        out_shape=jax.ShapeDtypeStruct((N_NODES_, 2 * FEAT_), jnp.float32),
    )(nr, W, psum, pcnt)


def kernel(x, edge_dst, edge_src, W):
    x2d = x.astype(jnp.float32).reshape(N_NODES_, FEAT_)

    def _perm(n):
        q = n % _TC_ROWS
        return n - q + jnp.where(q < _TC_ROWS // 2, 2 * q,
                                 2 * q - (_TC_ROWS - 1))

    src_i = edge_src.astype(jnp.int32)
    dst_i = edge_dst.astype(jnp.int32)
    src = _perm(src_i).reshape(NS_, CHUNKS_, CHUNK_)
    dst = _perm(dst_i).reshape(NS_, CHUNKS_, CHUNK_)
    iperm = _perm(jnp.arange(N_NODES_, dtype=jnp.int32))
    zero = jnp.zeros((ROWS_PER_TILE_, HFEAT_), jnp.float32)
    zcnt = jnp.zeros((ROWS_PER_TILE_, 16), jnp.float32)
    ones = jnp.ones((CHUNK_, 16), jnp.float32)
    nr, xh128 = _tc_prologue(x2d, W)
    xh = xh128.reshape(NC_, N_NODES_, HFEAT_)
    psum, pcnt = _sc_agg(xh, src, dst, zero, zcnt, ones)
    psum = psum.reshape(NC_, N_NODES_ // 2, FEAT_)
    cnt_perm = pcnt.reshape(NC_, N_NODES_, 16)[:, :, 0]
    cnt = jnp.take(cnt_perm[0] + cnt_perm[1], iperm)[:, None]
    out = _tc_epilogue(nr, W, psum, cnt)
    return out.reshape(N_NODES_, 1, 1, 2 * FEAT_)

# --- scband reference (transcript-rebuilt; emitter-appended) ---
"""Pipeline reference for scband-graph-conv-9723805958477 (READ-ONLY COPY).

The authoritative reference and input builder live on the scoring server;
editing this copy changes nothing except your own understanding.
"""

import jax, jax.numpy as jnp
import numpy as np

N_NODES = 10000
N_EDGES = 320000
IN_FEAT = 128
OUT_FEAT = 128


def setup_inputs(seed: int = 0) -> dict:
    key = jax.random.key(seed)
    k1, k2, k3, k4 = jax.random.split(key, 4)
    x = jax.random.normal(k1, (N_NODES, 1, 1, IN_FEAT), dtype=jnp.float32)
    edge_dst = jax.random.randint(k2, (N_EDGES,), 0, N_NODES, dtype=jnp.int64)
    edge_src = jax.random.randint(k3, (N_EDGES,), 0, N_NODES, dtype=jnp.int64)
    # xavier_uniform for weight (in_feat, out_feat)
    limit = float(np.sqrt(6.0 / (IN_FEAT + OUT_FEAT)))
    W = jax.random.uniform(k4, (IN_FEAT, OUT_FEAT), dtype=jnp.float32, minval=-limit, maxval=limit)
    return {"x": x, "edge_dst": edge_dst, "edge_src": edge_src, "W": W}


def reference(x, edge_dst, edge_src, W):
    xf = x.astype(jnp.float32)
    # compute_nodes_representation: features @ W
    nodes_representation = jnp.matmul(xf, W)
    # compute_aggregated_messages: gather neighbours along node axis
    neighbour_representations = jnp.take(xf, edge_src, axis=0)  # (E, B, L, F)
    # unsorted_segment_mean over edge_dst
    summed = jax.ops.segment_sum(neighbour_representations, edge_dst, num_segments=N_NODES)
    count = jax.ops.segment_sum(jnp.ones_like(neighbour_representations), edge_dst, num_segments=N_NODES)
    aggregated = summed / jnp.clip(count, 1.0, None)
    aggregated_messages = jnp.matmul(aggregated, W)
    # update: concat + relu activation
    h = jnp.concatenate([nodes_representation, aggregated_messages], axis=-1)
    return jax.nn.relu(h)

if __name__ == "__main__":
    import jax
    _d = setup_inputs()
    print(jax.jit(kernel)(*tuple(_d.values())))

</pallas_src>

<mosaic_0001>
#map = affine_map<(d0, d1) -> (0, 0, 0)>
#map1 = affine_map<(d0, d1) -> (0, 0)>
module attributes {stable_mosaic.version = 14 : i64} {
  func.func @_sc_agg_body(%arg0: i32, %arg1: i32, %arg2: memref<2x10000x64xf32, #tpu.memory_space<hbm>>, %arg3: memref<16x160x125xi32, #tpu.memory_space<hbm>>, %arg4: memref<16x160x125xi32, #tpu.memory_space<hbm>>, %arg5: memref<625x64xf32, #tpu.memory_space<hbm>>, %arg6: memref<625x16xf32, #tpu.memory_space<hbm>>, %arg7: memref<125x16xf32, #tpu.memory_space<hbm>>, %arg8: memref<32x625x64xf32, #tpu.memory_space<hbm>>, %arg9: memref<32x625x16xf32, #tpu.memory_space<hbm>>, %arg10: memref<160x125xi32, #tpu.memory_space<vmem>>, %arg11: memref<160x125xi32, #tpu.memory_space<vmem>>, %arg12: memref<125x64xf32, #tpu.memory_space<vmem>>, %arg13: memref<125x64xf32, #tpu.memory_space<vmem>>, %arg14: memref<125x64xf32, #tpu.memory_space<vmem>>, %arg15: memref<125x64xf32, #tpu.memory_space<vmem>>, %arg16: memref<125x16xf32, #tpu.memory_space<vmem>>, %arg17: memref<10016x64xf32, #tpu.memory_space<vmem_shared>>, %arg18: memref<10016x16xf32, #tpu.memory_space<vmem_shared>>, %arg19: memref<!tpu.dma_semaphore, #tpu.memory_space<semaphore_mem>>, %arg20: memref<!tpu.dma_semaphore, #tpu.memory_space<semaphore_mem>>, %arg21: memref<!tpu.dma_semaphore, #tpu.memory_space<semaphore_mem>>, %arg22: memref<!tpu.dma_semaphore, #tpu.memory_space<semaphore_mem>>) attributes {dimension_semantics = [#tpu.dimension_semantics<core_parallel>, #tpu.dimension_semantics<subcore_parallel>], iteration_bounds = array<i64: 2, 16>, scalar_prefetch = 0 : i64, scratch_operands = 13 : i64, tpu.core_type = #tpu.core_type<sc_vector_subcore>, window_params = [{transform_indices = #map}, {transform_indices = #map}, {transform_indices = #map}, {transform_indices = #map1}, {transform_indices = #map1}, {transform_indices = #map1}, {transform_indices = #map}, {transform_indices = #map}]} {
    %mul3A = arith.constant 16 : i32
    %mul3A_0 = arith.muli %arg0, %mul3A : i32
    %add3A = arith.addi %mul3A_0, %arg1 : i32
    %mul3A_1 = arith.constant 625 : i32
    %mul3A_2 = arith.muli %arg1, %mul3A_1 : i32
    "tpu.region"() ({
      %run_scoped3A_114 = tpu.sem_alloc : memref<!tpu.dma_semaphore, #tpu.memory_space<semaphore_mem>>
      %dma_start3A_115 = arith.constant 0 : i32
      %dma_start3A_116 = tpu.memref_slice %arg17[%mul3A_2, %dma_start3A_115] : memref<10016x64xf32, #tpu.memory_space<vmem_shared>> -> memref<625x64xf32, #tpu.memory_space<vmem_shared>>
      tpu.enqueue_dma source(%arg5 : memref<625x64xf32, #tpu.memory_space<hbm>>) target(%dma_start3A_116 : memref<625x64xf32, #tpu.memory_space<vmem_shared>>) target_semaphore(%run_scoped3A_114 : memref<!tpu.dma_semaphore, #tpu.memory_space<semaphore_mem>>)
      %dma_wait3A_117 = arith.constant 0 : i32
      %dma_wait3A_118 = tpu.memref_slice %arg17[%mul3A_2, %dma_wait3A_117] : memref<10016x64xf32, #tpu.memory_space<vmem_shared>> -> memref<625x64xf32, #tpu.memory_space<vmem_shared>>
      tpu.wait_dma2 semaphore(%run_scoped3A_114 : memref<!tpu.dma_semaphore, #tpu.memory_space<semaphore_mem>>) src(%arg5 : memref<625x64xf32, #tpu.memory_space<hbm>>) dst(%dma_wait3A_118 : memref<625x64xf32, #tpu.memory_space<vmem_shared>>)
      tpu.yield
    }) : () -> ()
    "tpu.region"() ({
      %run_scoped3A_114 = tpu.sem_alloc : memref<!tpu.dma_semaphore, #tpu.memory_space<semaphore_mem>>
      %dma_start3A_115 = arith.constant 0 : i32
      %dma_start3A_116 = tpu.memref_slice %arg18[%mul3A_2, %dma_start3A_115] : memref<10016x16xf32, #tpu.memory_space<vmem_shared>> -> memref<625x16xf32, #tpu.memory_space<vmem_shared>>
      tpu.enqueue_dma source(%arg6 : memref<625x16xf32, #tpu.memory_space<hbm>>) target(%dma_start3A_116 : memref<625x16xf32, #tpu.memory_space<vmem_shared>>) target_semaphore(%run_scoped3A_114 : memref<!tpu.dma_semaphore, #tpu.memory_space<semaphore_mem>>)
      %dma_wait3A_117 = arith.constant 0 : i32
      %dma_wait3A_118 = tpu.memref_slice %arg18[%mul3A_2, %dma_wait3A_117] : memref<10016x16xf32, #tpu.memory_space<vmem_shared>> -> memref<625x16xf32, #tpu.memory_space<vmem_shared>>
      tpu.wait_dma2 semaphore(%run_scoped3A_114 : memref<!tpu.dma_semaphore, #tpu.memory_space<semaphore_mem>>) src(%arg6 : memref<625x16xf32, #tpu.memory_space<hbm>>) dst(%dma_wait3A_118 : memref<625x16xf32, #tpu.memory_space<vmem_shared>>)
      tpu.yield
    }) : () -> ()
    "tpu.region"() ({
      %run_scoped3A_114 = tpu.sem_alloc : memref<!tpu.dma_semaphore, #tpu.memory_space<semaphore_mem>>
      tpu.enqueue_dma source(%arg7 : memref<125x16xf32, #tpu.memory_space<hbm>>) target(%arg16 : memref<125x16xf32, #tpu.memory_space<vmem>>) target_semaphore(%run_scoped3A_114 : memref<!tpu.dma_semaphore, #tpu.memory_space<semaphore_mem>>)
      tpu.wait_dma2 semaphore(%run_scoped3A_114 : memref<!tpu.dma_semaphore, #tpu.memory_space<semaphore_mem>>) src(%arg7 : memref<125x16xf32, #tpu.memory_space<hbm>>) dst(%arg16 : memref<125x16xf32, #tpu.memory_space<vmem>>)
      tpu.yield
    }) : () -> ()
    "tpu.region"() ({
      %run_scoped3A_114 = tpu.sem_alloc : memref<!tpu.dma_semaphore, #tpu.memory_space<semaphore_mem>>
      %dma_start3A_115 = arith.constant 0 : i32
      %dma_start3A_116 = arith.constant 0 : i32
      %dma_start3A_117 = tpu.memref_slice %arg3[%arg1, %dma_start3A_115, %dma_start3A_116] : memref<16x160x125xi32, #tpu.memory_space<hbm>> -> memref<1x160x125xi32, #tpu.memory_space<hbm>>
      %dma_start3A_118 = tpu.memref_squeeze %dma_start3A_117 : memref<1x160x125xi32, #tpu.memory_space<hbm>> -> memref<160x125xi32, #tpu.memory_space<hbm>>
      %dma_start3A_119 = arith.constant 0 : i32
      %dma_start3A_120 = arith.constant 0 : i32
      %dma_start3A_121 = tpu.memref_slice %arg3[%arg1, %dma_start3A_119, %dma_start3A_120] : memref<16x160x125xi32, #tpu.memory_space<hbm>> -> memref<1x160x125xi32, #tpu.memory_space<hbm>>
      %dma_start3A_122 = tpu.memref_squeeze %dma_start3A_121 : memref<1x160x125xi32, #tpu.memory_space<hbm>> -> memref<160x125xi32, #tpu.memory_space<hbm>>
      tpu.enqueue_dma source(%dma_start3A_122 : memref<160x125xi32, #tpu.memory_space<hbm>>) target(%arg10 : memref<160x125xi32, #tpu.memory_space<vmem>>) target_semaphore(%run_scoped3A_114 : memref<!tpu.dma_semaphore, #tpu.memory_space<semaphore_mem>>)
      %dma_wait3A_123 = arith.constant 0 : i32
      %dma_wait3A_124 = arith.constant 0 : i32
      %dma_wait3A_125 = tpu.memref_slice %arg3[%arg1, %dma_wait3A_123, %dma_wait3A_124] : memref<16x160x125xi32, #tpu.memory_space<hbm>> -> memref<1x160x125xi32, #tpu.memory_space<hbm>>
      %dma_wait3A_126 = tpu.memref_squeeze %dma_wait3A_125 : memref<1x160x125xi32, #tpu.memory_space<hbm>> -> memref<160x125xi32, #tpu.memory_space<hbm>>
      %dma_wait3A_127 = arith.constant 0 : i32
      %dma_wait3A_128 = arith.constant 0 : i32
      %dma_wait3A_129 = tpu.memref_slice %arg3[%arg1, %dma_wait3A_127, %dma_wait3A_128] : memref<16x160x125xi32, #tpu.memory_space<hbm>> -> memref<1x160x125xi32, #tpu.memory_space<hbm>>
      %dma_wait3A_130 = tpu.memref_squeeze %dma_wait3A_129 : memref<1x160x125xi32, #tpu.memory_space<hbm>> -> memref<160x125xi32, #tpu.memory_space<hbm>>
      tpu.wait_dma2 semaphore(%run_scoped3A_114 : memref<!tpu.dma_semaphore, #tpu.memory_space<semaphore_mem>>) src(%dma_wait3A_130 : memref<160x125xi32, #tpu.memory_space<hbm>>) dst(%arg10 : memref<160x125xi32, #tpu.memory_space<vmem>>)
      tpu.yield
    }) : () -> ()
    "tpu.region"() ({
      %run_scoped3A_114 = tpu.sem_alloc : memref<!tpu.dma_semaphore, #tpu.memory_space<semaphore_mem>>
      %dma_start3A_115 = arith.constant 0 : i32
      %dma_start3A_116 = arith.constant 0 : i32
      %dma_start3A_117 = tpu.memref_slice %arg4[%arg1, %dma_start3A_115, %dma_start3A_116] : memref<16x160x125xi32, #tpu.memory_space<hbm>> -> memref<1x160x125xi32, #tpu.memory_space<hbm>>
      %dma_start3A_118 = tpu.memref_squeeze %dma_start3A_117 : memref<1x160x125xi32, #tpu.memory_space<hbm>> -> memref<160x125xi32, #tpu.memory_space<hbm>>
      %dma_start3A_119 = arith.constant 0 : i32
      %dma_start3A_120 = arith.constant 0 : i32
      %dma_start3A_121 = tpu.memref_slice %arg4[%arg1, %dma_start3A_119, %dma_start3A_120] : memref<16x160x125xi32, #tpu.memory_space<hbm>> -> memref<1x160x125xi32, #tpu.memory_space<hbm>>
      %dma_start3A_122 = tpu.memref_squeeze %dma_start3A_121 : memref<1x160x125xi32, #tpu.memory_space<hbm>> -> memref<160x125xi32, #tpu.memory_space<hbm>>
      tpu.enqueue_dma source(%dma_start3A_122 : memref<160x125xi32, #tpu.memory_space<hbm>>) target(%arg11 : memref<160x125xi32, #tpu.memory_space<vmem>>) target_semaphore(%run_scoped3A_114 : memref<!tpu.dma_semaphore, #tpu.memory_space<semaphore_mem>>)
      %dma_wait3A_123 = arith.constant 0 : i32
      %dma_wait3A_124 = arith.constant 0 : i32
      %dma_wait3A_125 = tpu.memref_slice %arg4[%arg1, %dma_wait3A_123, %dma_wait3A_124] : memref<16x160x125xi32, #tpu.memory_space<hbm>> -> memref<1x160x125xi32, #tpu.memory_space<hbm>>
      %dma_wait3A_126 = tpu.memref_squeeze %dma_wait3A_125 : memref<1x160x125xi32, #tpu.memory_space<hbm>> -> memref<160x125xi32, #tpu.memory_space<hbm>>
      %dma_wait3A_127 = arith.constant 0 : i32
      %dma_wait3A_128 = arith.constant 0 : i32
      %dma_wait3A_129 = tpu.memref_slice %arg4[%arg1, %dma_wait3A_127, %dma_wait3A_128] : memref<16x160x125xi32, #tpu.memory_space<hbm>> -> memref<1x160x125xi32, #tpu.memory_space<hbm>>
      %dma_wait3A_130 = tpu.memref_squeeze %dma_wait3A_129 : memref<1x160x125xi32, #tpu.memory_space<hbm>> -> memref<160x125xi32, #tpu.memory_space<hbm>>
      tpu.wait_dma2 semaphore(%run_scoped3A_114 : memref<!tpu.dma_semaphore, #tpu.memory_space<semaphore_mem>>) src(%dma_wait3A_130 : memref<160x125xi32, #tpu.memory_space<hbm>>) dst(%arg11 : memref<160x125xi32, #tpu.memory_space<vmem>>)
      tpu.yield
    }) : () -> ()
    %barrier3A = arith.constant 0 : index
    tpu.barrier barrier_id(%barrier3A)
    %dma_start3A = arith.constant 0 : i32
    %dma_start3A_3 = arith.constant 0 : i32
    %dma_start3A_4 = tpu.memref_slice %arg10[%dma_start3A, %dma_start3A_3] : memref<160x125xi32, #tpu.memory_space<vmem>> -> memref<1x125xi32, #tpu.memory_space<vmem>>
    %dma_start3A_5 = tpu.memref_squeeze %dma_start3A_4 : memref<1x125xi32, #tpu.memory_space<vmem>> -> memref<125xi32, #tpu.memory_space<vmem>>
    %dma_start3A_6 = arith.constant 0 : i32
    %dma_start3A_7 = arith.constant 0 : i32
    %dma_start3A_8 = tpu.memref_slice %arg2[%arg0, %dma_start3A_6, %dma_start3A_7] : memref<2x10000x64xf32, #tpu.memory_space<hbm>> -> memref<1x10000x64xf32, #tpu.memory_space<hbm>>
    %dma_start3A_9 = tpu.memref_squeeze %dma_start3A_8 : memref<1x10000x64xf32, #tpu.memory_space<hbm>> -> memref<10000x64xf32, #tpu.memory_space<hbm>>
    %dma_start3A_10 = arith.constant 0 : i32
    %dma_start3A_11 = arith.constant 0 : i32
    %dma_start3A_12 = tpu.memref_slice %dma_start3A_9[%dma_start3A_10, %dma_start3A_11] : memref<10000x64xf32, #tpu.memory_space<hbm>> -> memref<10000x64xf32, #tpu.memory_space<hbm>>
    tpu.enqueue_indirect_dma source(%dma_start3A_12 : memref<10000x64xf32, #tpu.memory_space<hbm>>) target(%arg12 : memref<125x64xf32, #tpu.memory_space<vmem>>) offsets(%dma_start3A_5 : memref<125xi32, #tpu.memory_space<vmem>>) semaphore(%arg19 : memref<!tpu.dma_semaphore, #tpu.memory_space<semaphore_mem>>)
    %dma_start3A_13 = arith.constant 1 : i32
    %dma_start3A_14 = arith.constant 0 : i32
    %dma_start3A_15 = tpu.memref_slice %arg10[%dma_start3A_13, %dma_start3A_14] : memref<160x125xi32, #tpu.memory_space<vmem>> -> memref<1x125xi32, #tpu.memory_space<vmem>>
    %dma_start3A_16 = tpu.memref_squeeze %dma_start3A_15 : memref<1x125xi32, #tpu.memory_space<vmem>> -> memref<125xi32, #tpu.memory_space<vmem>>
    %dma_start3A_17 = arith.constant 0 : i32
    %dma_start3A_18 = arith.constant 0 : i32
    %dma_start3A_19 = tpu.memref_slice %arg2[%arg0, %dma_start3A_17, %dma_start3A_18] : memref<2x10000x64xf32, #tpu.memory_space<hbm>> -> memref<1x10000x64xf32, #tpu.memory_space<hbm>>
    %dma_start3A_20 = tpu.memref_squeeze %dma_start3A_19 : memref<1x10000x64xf32, #tpu.memory_space<hbm>> -> memref<10000x64xf32, #tpu.memory_space<hbm>>
    %dma_start3A_21 = arith.constant 0 : i32
    %dma_start3A_22 = arith.constant 0 : i32
    %dma_start3A_23 = tpu.memref_slice %dma_start3A_20[%dma_start3A_21, %dma_start3A_22] : memref<10000x64xf32, #tpu.memory_space<hbm>> -> memref<10000x64xf32, #tpu.memory_space<hbm>>
    tpu.enqueue_indirect_dma source(%dma_start3A_23 : memref<10000x64xf32, #tpu.memory_space<hbm>>) target(%arg13 : memref<125x64xf32, #tpu.memory_space<vmem>>) offsets(%dma_start3A_16 : memref<125xi32, #tpu.memory_space<vmem>>) semaphore(%arg20 : memref<!tpu.dma_semaphore, #tpu.memory_space<semaphore_mem>>)
    %dma_start3A_24 = arith.constant 2 : i32
    %dma_start3A_25 = arith.constant 0 : i32
    %dma_start3A_26 = tpu.memref_slice %arg10[%dma_start3A_24, %dma_start3A_25] : memref<160x125xi32, #tpu.memory_space<vmem>> -> memref<1x125xi32, #tpu.memory_space<vmem>>
    %dma_start3A_27 = tpu.memref_squeeze %dma_start3A_26 : memref<1x125xi32, #tpu.memory_space<vmem>> -> memref<125xi32, #tpu.memory_space<vmem>>
    %dma_start3A_28 = arith.constant 0 : i32
    %dma_start3A_29 = arith.constant 0 : i32
    %dma_start3A_30 = tpu.memref_slice %arg2[%arg0, %dma_start3A_28, %dma_start3A_29] : memref<2x10000x64xf32, #tpu.memory_space<hbm>> -> memref<1x10000x64xf32, #tpu.memory_space<hbm>>
    %dma_start3A_31 = tpu.memref_squeeze %dma_start3A_30 : memref<1x10000x64xf32, #tpu.memory_space<hbm>> -> memref<10000x64xf32, #tpu.memory_space<hbm>>
    %dma_start3A_32 = arith.constant 0 : i32
    %dma_start3A_33 = arith.constant 0 : i32
    %dma_start3A_34 = tpu.memref_slice %dma_start3A_31[%dma_start3A_32, %dma_start3A_33] : memref<10000x64xf32, #tpu.memory_space<hbm>> -> memref<10000x64xf32, #tpu.memory_space<hbm>>
    tpu.enqueue_indirect_dma source(%dma_start3A_34 : memref<10000x64xf32, #tpu.memory_space<hbm>>) target(%arg14 : memref<125x64xf32, #tpu.memory_space<vmem>>) offsets(%dma_start3A_27 : memref<125xi32, #tpu.memory_space<vmem>>) semaphore(%arg21 : memref<!tpu.dma_semaphore, #tpu.memory_space<semaphore_mem>>)
    %dma_start3A_35 = arith.constant 3 : i32
    %dma_start3A_36 = arith.constant 0 : i32
    %dma_start3A_37 = tpu.memref_slice %arg10[%dma_start3A_35, %dma_start3A_36] : memref<160x125xi32, #tpu.memory_space<vmem>> -> memref<1x125xi32, #tpu.memory_space<vmem>>
    %dma_start3A_38 = tpu.memref_squeeze %dma_start3A_37 : memref<1x125xi32, #tpu.memory_space<vmem>> -> memref<125xi32, #tpu.memory_space<vmem>>
    %dma_start3A_39 = arith.constant 0 : i32
    %dma_start3A_40 = arith.constant 0 : i32
    %dma_start3A_41 = tpu.memref_slice %arg2[%arg0, %dma_start3A_39, %dma_start3A_40] : memref<2x10000x64xf32, #tpu.memory_space<hbm>> -> memref<1x10000x64xf32, #tpu.memory_space<hbm>>
    %dma_start3A_42 = tpu.memref_squeeze %dma_start3A_41 : memref<1x10000x64xf32, #tpu.memory_space<hbm>> -> memref<10000x64xf32, #tpu.memory_space<hbm>>
    %dma_start3A_43 = arith.constant 0 : i32
    %dma_start3A_44 = arith.constant 0 : i32
    %dma_start3A_45 = tpu.memref_slice %dma_start3A_42[%dma_start3A_43, %dma_start3A_44] : memref<10000x64xf32, #tpu.memory_space<hbm>> -> memref<10000x64xf32, #tpu.memory_space<hbm>>
    tpu.enqueue_indirect_dma source(%dma_start3A_45 : memref<10000x64xf32, #tpu.memory_space<hbm>>) target(%arg15 : memref<125x64xf32, #tpu.memory_space<vmem>>) offsets(%dma_start3A_38 : memref<125xi32, #tpu.memory_space<vmem>>) semaphore(%arg22 : memref<!tpu.dma_semaphore, #tpu.memory_space<semaphore_mem>>)
    %scan3A = arith.constant 0 : i32
    %scan3A_46 = arith.constant 39 : i32
    %scan3A_47 = arith.addi %scan3A, %scan3A_46 : i32
    %scan3A_48 = arith.constant 1 : i32
    scf.for %scan3A_114 = %scan3A to %scan3A_47 step %scan3A_48  : i32 {
      %mul3A_115 = arith.constant 4 : i32
      %mul3A_116 = arith.muli %scan3A_114, %mul3A_115 : i32
      %add3A_117 = arith.constant 4 : i32
      %add3A_118 = arith.addi %add3A_117, %mul3A_116 : i32
      %sub3A = arith.constant 4 : i32
      %sub3A_119 = arith.subi %add3A_118, %sub3A : i32
      %add3A_120 = arith.constant 0 : i32
      %add3A_121 = arith.addi %sub3A_119, %add3A_120 : i32
      %dma_wait3A_122 = arith.constant 0 : i32
      %dma_wait3A_123 = tpu.memref_slice %arg10[%add3A_121, %dma_wait3A_122] : memref<160x125xi32, #tpu.memory_space<vmem>> -> memref<1x125xi32, #tpu.memory_space<vmem>>
      %dma_wait3A_124 = tpu.memref_squeeze %dma_wait3A_123 : memref<1x125xi32, #tpu.memory_space<vmem>> -> memref<125xi32, #tpu.memory_space<vmem>>
      %dma_wait3A_125 = arith.constant 0 : i32
      %dma_wait3A_126 = arith.constant 0 : i32
      %dma_wait3A_127 = tpu.memref_slice %arg2[%arg0, %dma_wait3A_125, %dma_wait3A_126] : memref<2x10000x64xf32, #tpu.memory_space<hbm>> -> memref<1x10000x64xf32, #tpu.memory_space<hbm>>
      %dma_wait3A_128 = tpu.memref_squeeze %dma_wait3A_127 : memref<1x10000x64xf32, #tpu.memory_space<hbm>> -> memref<10000x64xf32, #tpu.memory_space<hbm>>
      %dma_wait3A_129 = arith.constant 0 : i32
      %dma_wait3A_130 = arith.constant 0 : i32
      %dma_wait3A_131 = tpu.memref_slice %dma_wait3A_128[%dma_wait3A_129, %dma_wait3A_130] : memref<10000x64xf32, #tpu.memory_space<hbm>> -> memref<10000x64xf32, #tpu.memory_space<hbm>>
      tpu.wait_indirect_dma semaphore(%arg19 : memref<!tpu.dma_semaphore, #tpu.memory_space<semaphore_mem>>) src(%dma_wait3A_131 : memref<10000x64xf32, #tpu.memory_space<hbm>>) dst(%arg12 : memref<125x64xf32, #tpu.memory_space<vmem>>)
      "tpu.region"() ({
        %run_scoped3A_242 = tpu.sem_alloc : memref<!tpu.dma_semaphore, #tpu.memory_space<semaphore_mem>>
        %dma_start3A_243 = arith.constant 0 : i32
        %dma_start3A_244 = tpu.memref_slice %arg11[%add3A_121, %dma_start3A_243] : memref<160x125xi32, #tpu.memory_space<vmem>> -> memref<1x125xi32, #tpu.memory_space<vmem>>
        %dma_start3A_245 = tpu.memref_squeeze %dma_start3A_244 : memref<1x125xi32, #tpu.memory_space<vmem>> -> memref<125xi32, #tpu.memory_space<vmem>>
        %dma_start3A_246 = arith.constant 0 : i32
        %dma_start3A_247 = arith.constant 0 : i32
        %dma_start3A_248 = tpu.memref_slice %arg17[%dma_start3A_246, %dma_start3A_247] : memref<10016x64xf32, #tpu.memory_space<vmem_shared>> -> memref<10016x64xf32, #tpu.memory_space<vmem_shared>>
        tpu.enqueue_indirect_dma source(%arg12 : memref<125x64xf32, #tpu.memory_space<vmem>>) target(%dma_start3A_248 : memref<10016x64xf32, #tpu.memory_space<vmem_shared>>) offsets(%dma_start3A_245 : memref<125xi32, #tpu.memory_space<vmem>>) semaphore(%run_scoped3A_242 : memref<!tpu.dma_semaphore, #tpu.memory_space<semaphore_mem>>) {add = true}
        %dma_wait3A_249 = arith.constant 0 : i32
        %dma_wait3A_250 = tpu.memref_slice %arg11[%add3A_121, %dma_wait3A_249] : memref<160x125xi32, #tpu.memory_space<vmem>> -> memref<1x125xi32, #tpu.memory_space<vmem>>
        %dma_wait3A_251 = tpu.memref_squeeze %dma_wait3A_250 : memref<1x125xi32, #tpu.memory_space<vmem>> -> memref<125xi32, #tpu.memory_space<vmem>>
        %dma_wait3A_252 = arith.constant 0 : i32
        %dma_wait3A_253 = arith.constant 0 : i32
        %dma_wait3A_254 = tpu.memref_slice %arg17[%dma_wait3A_252, %dma_wait3A_253] : memref<10016x64xf32, #tpu.memory_space<vmem_shared>> -> memref<10016x64xf32, #tpu.memory_space<vmem_shared>>
        tpu.wait_indirect_dma semaphore(%run_scoped3A_242 : memref<!tpu.dma_semaphore, #tpu.memory_space<semaphore_mem>>) src(%arg12 : memref<125x64xf32, #tpu.memory_space<vmem>>) dst(%dma_wait3A_254 : memref<10016x64xf32, #tpu.memory_space<vmem_shared>>)
        tpu.yield
      }) : () -> ()
      %eq3A_132 = arith.constant 0 : i32
      %eq3A_133 = arith.cmpi eq, %arg0, %eq3A_132 : i32
      %convert_element_type3A_134 = arith.extui %eq3A_133 : i1 to i32
      %cond3A_135 = arith.constant 0 : i32
      %cond3A_136 = arith.cmpi ne, %convert_element_type3A_134, %cond3A_135 : i32
      scf.if %cond3A_136 {
        "tpu.region"() ({
          %run_scoped3A_242 = tpu.sem_alloc : memref<!tpu.dma_semaphore, #tpu.memory_space<semaphore_mem>>
          %dma_start3A_243 = arith.constant 0 : i32
          %dma_start3A_244 = tpu.memref_slice %arg11[%add3A_121, %dma_start3A_243] : memref<160x125xi32, #tpu.memory_space<vmem>> -> memref<1x125xi32, #tpu.memory_space<vmem>>
          %dma_start3A_245 = tpu.memref_squeeze %dma_start3A_244 : memref<1x125xi32, #tpu.memory_space<vmem>> -> memref<125xi32, #tpu.memory_space<vmem>>
          %dma_start3A_246 = arith.constant 0 : i32
          %dma_start3A_247 = arith.constant 0 : i32
          %dma_start3A_248 = tpu.memref_slice %arg18[%dma_start3A_246, %dma_start3A_247] : memref<10016x16xf32, #tpu.memory_space<vmem_shared>> -> memref<10016x16xf32, #tpu.memory_space<vmem_shared>>
          tpu.enqueue_indirect_dma source(%arg16 : memref<125x16xf32, #tpu.memory_space<vmem>>) target(%dma_start3A_248 : memref<10016x16xf32, #tpu.memory_space<vmem_shared>>) offsets(%dma_start3A_245 : memref<125xi32, #tpu.memory_space<vmem>>) semaphore(%run_scoped3A_242 : memref<!tpu.dma_semaphore, #tpu.memory_space<semaphore_mem>>) {add = true}
          %dma_wait3A_249 = arith.constant 0 : i32
          %dma_wait3A_250 = tpu.memref_slice %arg11[%add3A_121, %dma_wait3A_249] : memref<160x125xi32, #tpu.memory_space<vmem>> -> memref<1x125xi32, #tpu.memory_space<vmem>>
          %dma_wait3A_251 = tpu.memref_squeeze %dma_wait3A_250 : memref<1x125xi32, #tpu.memory_space<vmem>> -> memref<125xi32, #tpu.memory_space<vmem>>
          %dma_wait3A_252 = arith.constant 0 : i32
          %dma_wait3A_253 = arith.constant 0 : i32
          %dma_wait3A_254 = tpu.memref_slice %arg18[%dma_wait3A_252, %dma_wait3A_253] : memref<10016x16xf32, #tpu.memory_space<vmem_shared>> -> memref<10016x16xf32, #tpu.memory_space<vmem_shared>>
          tpu.wait_indirect_dma semaphore(%run_scoped3A_242 : memref<!tpu.dma_semaphore, #tpu.memory_space<semaphore_mem>>) src(%arg16 : memref<125x16xf32, #tpu.memory_space<vmem>>) dst(%dma_wait3A_254 : memref<10016x16xf32, #tpu.memory_space<vmem_shared>>)
          tpu.yield
        }) : () -> ()
      } else {
      }
      %add3A_137 = arith.constant 0 : i32
      %add3A_138 = arith.addi %add3A_118, %add3A_137 : i32
      %dma_start3A_139 = arith.constant 0 : i32
      %dma_start3A_140 = tpu.memref_slice %arg10[%add3A_138, %dma_start3A_139] : memref<160x125xi32, #tpu.memory_space<vmem>> -> memref<1x125xi32, #tpu.memory_space<vmem>>
      %dma_start3A_141 = tpu.memref_squeeze %dma_start3A_140 : memref<1x125xi32, #tpu.memory_space<vmem>> -> memref<125xi32, #tpu.memory_space<vmem>>
      %dma_start3A_142 = arith.constant 0 : i32
      %dma_start3A_143 = arith.constant 0 : i32
      %dma_start3A_144 = tpu.memref_slice %arg2[%arg0, %dma_start3A_142, %dma_start3A_143] : memref<2x10000x64xf32, #tpu.memory_space<hbm>> -> memref<1x10000x64xf32, #tpu.memory_space<hbm>>
      %dma_start3A_145 = tpu.memref_squeeze %dma_start3A_144 : memref<1x10000x64xf32, #tpu.memory_space<hbm>> -> memref<10000x64xf32, #tpu.memory_space<hbm>>
      %dma_start3A_146 = arith.constant 0 : i32
      %dma_start3A_147 = arith.constant 0 : i32
      %dma_start3A_148 = tpu.memref_slice %dma_start3A_145[%dma_start3A_146, %dma_start3A_147] : memref<10000x64xf32, #tpu.memory_space<hbm>> -> memref<10000x64xf32, #tpu.memory_space<hbm>>
      tpu.enqueue_indirect_dma source(%dma_start3A_148 : memref<10000x64xf32, #tpu.memory_space<hbm>>) target(%arg12 : memref<125x64xf32, #tpu.memory_space<vmem>>) offsets(%dma_start3A_141 : memref<125xi32, #tpu.memory_space<vmem>>) semaphore(%arg19 : memref<!tpu.dma_semaphore, #tpu.memory_space<semaphore_mem>>)
      %sub3A_149 = arith.constant 4 : i32
      %sub3A_150 = arith.subi %add3A_118, %sub3A_149 : i32
      %add3A_151 = arith.constant 1 : i32
      %add3A_152 = arith.addi %sub3A_150, %add3A_151 : i32
      %dma_wait3A_153 = arith.constant 0 : i32
      %dma_wait3A_154 = tpu.memref_slice %arg10[%add3A_152, %dma_wait3A_153] : memref<160x125xi32, #tpu.memory_space<vmem>> -> memref<1x125xi32, #tpu.memory_space<vmem>>
      %dma_wait3A_155 = tpu.memref_squeeze %dma_wait3A_154 : memref<1x125xi32, #tpu.memory_space<vmem>> -> memref<125xi32, #tpu.memory_space<vmem>>
      %dma_wait3A_156 = arith.constant 0 : i32
      %dma_wait3A_157 = arith.constant 0 : i32
      %dma_wait3A_158 = tpu.memref_slice %arg2[%arg0, %dma_wait3A_156, %dma_wait3A_157] : memref<2x10000x64xf32, #tpu.memory_space<hbm>> -> memref<1x10000x64xf32, #tpu.memory_space<hbm>>
      %dma_wait3A_159 = tpu.memref_squeeze %dma_wait3A_158 : memref<1x10000x64xf32, #tpu.memory_space<hbm>> -> memref<10000x64xf32, #tpu.memory_space<hbm>>
      %dma_wait3A_160 = arith.constant 0 : i32
      %dma_wait3A_161 = arith.constant 0 : i32
      %dma_wait3A_162 = tpu.memref_slice %dma_wait3A_159[%dma_wait3A_160, %dma_wait3A_161] : memref<10000x64xf32, #tpu.memory_space<hbm>> -> memref<10000x64xf32, #tpu.memory_space<hbm>>
      tpu.wait_indirect_dma semaphore(%arg20 : memref<!tpu.dma_semaphore, #tpu.memory_space<semaphore_mem>>) src(%dma_wait3A_162 : memref<10000x64xf32, #tpu.memory_space<hbm>>) dst(%arg13 : memref<125x64xf32, #tpu.memory_space<vmem>>)
      "tpu.region"() ({
        %run_scoped3A_242 = tpu.sem_alloc : memref<!tpu.dma_semaphore, #tpu.memory_space<semaphore_mem>>
        %dma_start3A_243 = arith.constant 0 : i32
        %dma_start3A_244 = tpu.memref_slice %arg11[%add3A_152, %dma_start3A_243] : memref<160x125xi32, #tpu.memory_space<vmem>> -> memref<1x125xi32, #tpu.memory_space<vmem>>
        %dma_start3A_245 = tpu.memref_squeeze %dma_start3A_244 : memref<1x125xi32, #tpu.memory_space<vmem>> -> memref<125xi32, #tpu.memory_space<vmem>>
        %dma_start3A_246 = arith.constant 0 : i32
        %dma_start3A_247 = arith.constant 0 : i32
        %dma_start3A_248 = tpu.memref_slice %arg17[%dma_start3A_246, %dma_start3A_247] : memref<10016x64xf32, #tpu.memory_space<vmem_shared>> -> memref<10016x64xf32, #tpu.memory_space<vmem_shared>>
        tpu.enqueue_indirect_dma source(%arg13 : memref<125x64xf32, #tpu.memory_space<vmem>>) target(%dma_start3A_248 : memref<10016x64xf32, #tpu.memory_space<vmem_shared>>) offsets(%dma_start3A_245 : memref<125xi32, #tpu.memory_space<vmem>>) semaphore(%run_scoped3A_242 : memref<!tpu.dma_semaphore, #tpu.memory_space<semaphore_mem>>) {add = true}
        %dma_wait3A_249 = arith.constant 0 : i32
        %dma_wait3A_250 = tpu.memref_slice %arg11[%add3A_152, %dma_wait3A_249] : memref<160x125xi32, #tpu.memory_space<vmem>> -> memref<1x125xi32, #tpu.memory_space<vmem>>
        %dma_wait3A_251 = tpu.memref_squeeze %dma_wait3A_250 : memref<1x125xi32, #tpu.memory_space<vmem>> -> memref<125xi32, #tpu.memory_space<vmem>>
        %dma_wait3A_252 = arith.constant 0 : i32
        %dma_wait3A_253 = arith.constant 0 : i32
        %dma_wait3A_254 = tpu.memref_slice %arg17[%dma_wait3A_252, %dma_wait3A_253] : memref<10016x64xf32, #tpu.memory_space<vmem_shared>> -> memref<10016x64xf32, #tpu.memory_space<vmem_shared>>
        tpu.wait_indirect_dma semaphore(%run_scoped3A_242 : memref<!tpu.dma_semaphore, #tpu.memory_space<semaphore_mem>>) src(%arg13 : memref<125x64xf32, #tpu.memory_space<vmem>>) dst(%dma_wait3A_254 : memref<10016x64xf32, #tpu.memory_space<vmem_shared>>)
        tpu.yield
      }) : () -> ()
      %eq3A_163 = arith.constant 1 : i32
      %eq3A_164 = arith.cmpi eq, %arg0, %eq3A_163 : i32
      %convert_element_type3A_165 = arith.extui %eq3A_164 : i1 to i32
      %cond3A_166 = arith.constant 0 : i32
      %cond3A_167 = arith.cmpi ne, %convert_element_type3A_165, %cond3A_166 : i32
      scf.if %cond3A_167 {
        "tpu.region"() ({
          %run_scoped3A_242 = tpu.sem_alloc : memref<!tpu.dma_semaphore, #tpu.memory_space<semaphore_mem>>
          %dma_start3A_243 = arith.constant 0 : i32
          %dma_start3A_244 = tpu.memref_slice %arg11[%add3A_152, %dma_start3A_243] : memref<160x125xi32, #tpu.memory_space<vmem>> -> memref<1x125xi32, #tpu.memory_space<vmem>>
          %dma_start3A_245 = tpu.memref_squeeze %dma_start3A_244 : memref<1x125xi32, #tpu.memory_space<vmem>> -> memref<125xi32, #tpu.memory_space<vmem>>
          %dma_start3A_246 = arith.constant 0 : i32
          %dma_start3A_247 = arith.constant 0 : i32
          %dma_start3A_248 = tpu.memref_slice %arg18[%dma_start3A_246, %dma_start3A_247] : memref<10016x16xf32, #tpu.memory_space<vmem_shared>> -> memref<10016x16xf32, #tpu.memory_space<vmem_shared>>
          tpu.enqueue_indirect_dma source(%arg16 : memref<125x16xf32, #tpu.memory_space<vmem>>) target(%dma_start3A_248 : memref<10016x16xf32, #tpu.memory_space<vmem_shared>>) offsets(%dma_start3A_245 : memref<125xi32, #tpu.memory_space<vmem>>) semaphore(%run_scoped3A_242 : memref<!tpu.dma_semaphore, #tpu.memory_space<semaphore_mem>>) {add = true}
          %dma_wait3A_249 = arith.constant 0 : i32
          %dma_wait3A_250 = tpu.memref_slice %arg11[%add3A_152, %dma_wait3A_249] : memref<160x125xi32, #tpu.memory_space<vmem>> -> memref<1x125xi32, #tpu.memory_space<vmem>>
          %dma_wait3A_251 = tpu.memref_squeeze %dma_wait3A_250 : memref<1x125xi32, #tpu.memory_space<vmem>> -> memref<125xi32, #tpu.memory_space<vmem>>
          %dma_wait3A_252 = arith.constant 0 : i32
          %dma_wait3A_253 = arith.constant 0 : i32
          %dma_wait3A_254 = tpu.memref_slice %arg18[%dma_wait3A_252, %dma_wait3A_253] : memref<10016x16xf32, #tpu.memory_space<vmem_shared>> -> memref<10016x16xf32, #tpu.memory_space<vmem_shared>>
          tpu.wait_indirect_dma semaphore(%run_scoped3A_242 : memref<!tpu.dma_semaphore, #tpu.memory_space<semaphore_mem>>) src(%arg16 : memref<125x16xf32, #tpu.memory_space<vmem>>) dst(%dma_wait3A_254 : memref<10016x16xf32, #tpu.memory_space<vmem_shared>>)
          tpu.yield
        }) : () -> ()
      } else {
      }
      %add3A_168 = arith.constant 1 : i32
      %add3A_169 = arith.addi %add3A_118, %add3A_168 : i32
      %dma_start3A_170 = arith.constant 0 : i32
      %dma_start3A_171 = tpu.memref_slice %arg10[%add3A_169, %dma_start3A_170] : memref<160x125xi32, #tpu.memory_space<vmem>> -> memref<1x125xi32, #tpu.memory_space<vmem>>
      %dma_start3A_172 = tpu.memref_squeeze %dma_start3A_171 : memref<1x125xi32, #tpu.memory_space<vmem>> -> memref<125xi32, #tpu.memory_space<vmem>>
      %dma_start3A_173 = arith.constant 0 : i32
      %dma_start3A_174 = arith.constant 0 : i32
      %dma_start3A_175 = tpu.memref_slice %arg2[%arg0, %dma_start3A_173, %dma_start3A_174] : memref<2x10000x64xf32, #tpu.memory_space<hbm>> -> memref<1x10000x64xf32, #tpu.memory_space<hbm>>
      %dma_start3A_176 = tpu.memref_squeeze %dma_start3A_175 : memref<1x10000x64xf32, #tpu.memory_space<hbm>> -> memref<10000x64xf32, #tpu.memory_space<hbm>>
      %dma_start3A_177 = arith.constant 0 : i32
      %dma_start3A_178 = arith.constant 0 : i32
      %dma_start3A_179 = tpu.memref_slice %dma_start3A_176[%dma_start3A_177, %dma_start3A_178] : memref<10000x64xf32, #tpu.memory_space<hbm>> -> memref<10000x64xf32, #tpu.memory_space<hbm>>
      tpu.enqueue_indirect_dma source(%dma_start3A_179 : memref<10000x64xf32, #tpu.memory_space<hbm>>) target(%arg13 : memref<125x64xf32, #tpu.memory_space<vmem>>) offsets(%dma_start3A_172 : memref<125xi32, #tpu.memory_space<vmem>>) semaphore(%arg20 : memref<!tpu.dma_semaphore, #tpu.memory_space<semaphore_mem>>)
      %sub3A_180 = arith.constant 4 : i32
      %sub3A_181 = arith.subi %add3A_118, %sub3A_180 : i32
      %add3A_182 = arith.constant 2 : i32
      %add3A_183 = arith.addi %sub3A_181, %add3A_182 : i32
      %dma_wait3A_184 = arith.constant 0 : i32
      %dma_wait3A_185 = tpu.memref_slice %arg10[%add3A_183, %dma_wait3A_184] : memref<160x125xi32, #tpu.memory_space<vmem>> -> memref<1x125xi32, #tpu.memory_space<vmem>>
      %dma_wait3A_186 = tpu.memref_squeeze %dma_wait3A_185 : memref<1x125xi32, #tpu.memory_space<vmem>> -> memref<125xi32, #tpu.memory_space<vmem>>
      %dma_wait3A_187 = arith.constant 0 : i32
      %dma_wait3A_188 = arith.constant 0 : i32
      %dma_wait3A_189 = tpu.memref_slice %arg2[%arg0, %dma_wait3A_187, %dma_wait3A_188] : memref<2x10000x64xf32, #tpu.memory_space<hbm>> -> memref<1x10000x64xf32, #tpu.memory_space<hbm>>
      %dma_wait3A_190 = tpu.memref_squeeze %dma_wait3A_189 : memref<1x10000x64xf32, #tpu.memory_space<hbm>> -> memref<10000x64xf32, #tpu.memory_space<hbm>>
      %dma_wait3A_191 = arith.constant 0 : i32
      %dma_wait3A_192 = arith.constant 0 : i32
      %dma_wait3A_193 = tpu.memref_slice %dma_wait3A_190[%dma_wait3A_191, %dma_wait3A_192] : memref<10000x64xf32, #tpu.memory_space<hbm>> -> memref<10000x64xf32, #tpu.memory_space<hbm>>
      tpu.wait_indirect_dma semaphore(%arg21 : memref<!tpu.dma_semaphore, #tpu.memory_space<semaphore_mem>>) src(%dma_wait3A_193 : memref<10000x64xf32, #tpu.memory_space<hbm>>) dst(%arg14 : memref<125x64xf32, #tpu.memory_space<vmem>>)
      "tpu.region"() ({
        %run_scoped3A_242 = tpu.sem_alloc : memref<!tpu.dma_semaphore, #tpu.memory_space<semaphore_mem>>
        %dma_start3A_243 = arith.constant 0 : i32
        %dma_start3A_244 = tpu.memref_slice %arg11[%add3A_183, %dma_start3A_243] : memref<160x125xi32, #tpu.memory_space<vmem>> -> memref<1x125xi32, #tpu.memory_space<vmem>>
        %dma_start3A_245 = tpu.memref_squeeze %dma_start3A_244 : memref<1x125xi32, #tpu.memory_space<vmem>> -> memref<125xi32, #tpu.memory_space<vmem>>
        %dma_start3A_246 = arith.constant 0 : i32
        %dma_start3A_247 = arith.constant 0 : i32
        %dma_start3A_248 = tpu.memref_slice %arg17[%dma_start3A_246, %dma_start3A_247] : memref<10016x64xf32, #tpu.memory_space<vmem_shared>> -> memref<10016x64xf32, #tpu.memory_space<vmem_shared>>
        tpu.enqueue_indirect_dma source(%arg14 : memref<125x64xf32, #tpu.memory_space<vmem>>) target(%dma_start3A_248 : memref<10016x64xf32, #tpu.memory_space<vmem_shared>>) offsets(%dma_start3A_245 : memref<125xi32, #tpu.memory_space<vmem>>) semaphore(%run_scoped3A_242 : memref<!tpu.dma_semaphore, #tpu.memory_space<semaphore_mem>>) {add = true}
        %dma_wait3A_249 = arith.constant 0 : i32
        %dma_wait3A_250 = tpu.memref_slice %arg11[%add3A_183, %dma_wait3A_249] : memref<160x125xi32, #tpu.memory_space<vmem>> -> memref<1x125xi32, #tpu.memory_space<vmem>>
        %dma_wait3A_251 = tpu.memref_squeeze %dma_wait3A_250 : memref<1x125xi32, #tpu.memory_space<vmem>> -> memref<125xi32, #tpu.memory_space<vmem>>
        %dma_wait3A_252 = arith.constant 0 : i32
        %dma_wait3A_253 = arith.constant 0 : i32
        %dma_wait3A_254 = tpu.memref_slice %arg17[%dma_wait3A_252, %dma_wait3A_253] : memref<10016x64xf32, #tpu.memory_space<vmem_shared>> -> memref<10016x64xf32, #tpu.memory_space<vmem_shared>>
        tpu.wait_indirect_dma semaphore(%run_scoped3A_242 : memref<!tpu.dma_semaphore, #tpu.memory_space<semaphore_mem>>) src(%arg14 : memref<125x64xf32, #tpu.memory_space<vmem>>) dst(%dma_wait3A_254 : memref<10016x64xf32, #tpu.memory_space<vmem_shared>>)
        tpu.yield
      }) : () -> ()
      %eq3A_194 = arith.constant 0 : i32
      %eq3A_195 = arith.cmpi eq, %arg0, %eq3A_194 : i32
      %convert_element_type3A_196 = arith.extui %eq3A_195 : i1 to i32
      %cond3A_197 = arith.constant 0 : i32
      %cond3A_198 = arith.cmpi ne, %convert_element_type3A_196, %cond3A_197 : i32
      scf.if %cond3A_198 {
        "tpu.region"() ({
          %run_scoped3A_242 = tpu.sem_alloc : memref<!tpu.dma_semaphore, #tpu.memory_space<semaphore_mem>>
          %dma_start3A_243 = arith.constant 0 : i32
          %dma_start3A_244 = tpu.memref_slice %arg11[%add3A_183, %dma_start3A_243] : memref<160x125xi32, #tpu.memory_space<vmem>> -> memref<1x125xi32, #tpu.memory_space<vmem>>
          %dma_start3A_245 = tpu.memref_squeeze %dma_start3A_244 : memref<1x125xi32, #tpu.memory_space<vmem>> -> memref<125xi32, #tpu.memory_space<vmem>>
          %dma_start3A_246 = arith.constant 0 : i32
          %dma_start3A_247 = arith.constant 0 : i32
          %dma_start3A_248 = tpu.memref_slice %arg18[%dma_start3A_246, %dma_start3A_247] : memref<10016x16xf32, #tpu.memory_space<vmem_shared>> -> memref<10016x16xf32, #tpu.memory_space<vmem_shared>>
          tpu.enqueue_indirect_dma source(%arg16 : memref<125x16xf32, #tpu.memory_space<vmem>>) target(%dma_start3A_248 : memref<10016x16xf32, #tpu.memory_space<vmem_shared>>) offsets(%dma_start3A_245 : memref<125xi32, #tpu.memory_space<vmem>>) semaphore(%run_scoped3A_242 : memref<!tpu.dma_semaphore, #tpu.memory_space<semaphore_mem>>) {add = true}
          %dma_wait3A_249 = arith.constant 0 : i32
          %dma_wait3A_250 = tpu.memref_slice %arg11[%add3A_183, %dma_wait3A_249] : memref<160x125xi32, #tpu.memory_space<vmem>> -> memref<1x125xi32, #tpu.memory_space<vmem>>
          %dma_wait3A_251 = tpu.memref_squeeze %dma_wait3A_250 : memref<1x125xi32, #tpu.memory_space<vmem>> -> memref<125xi32, #tpu.memory_space<vmem>>
          %dma_wait3A_252 = arith.constant 0 : i32
          %dma_wait3A_253 = arith.constant 0 : i32
          %dma_wait3A_254 = tpu.memref_slice %arg18[%dma_wait3A_252, %dma_wait3A_253] : memref<10016x16xf32, #tpu.memory_space<vmem_shared>> -> memref<10016x16xf32, #tpu.memory_space<vmem_shared>>
          tpu.wait_indirect_dma semaphore(%run_scoped3A_242 : memref<!tpu.dma_semaphore, #tpu.memory_space<semaphore_mem>>) src(%arg16 : memref<125x16xf32, #tpu.memory_space<vmem>>) dst(%dma_wait3A_254 : memref<10016x16xf32, #tpu.memory_space<vmem_shared>>)
          tpu.yield
        }) : () -> ()
      } else {
      }
      %add3A_199 = arith.constant 2 : i32
      %add3A_200 = arith.addi %add3A_118, %add3A_199 : i32
      %dma_start3A_201 = arith.constant 0 : i32
      %dma_start3A_202 = tpu.memref_slice %arg10[%add3A_200, %dma_start3A_201] : memref<160x125xi32, #tpu.memory_space<vmem>> -> memref<1x125xi32, #tpu.memory_space<vmem>>
      %dma_start3A_203 = tpu.memref_squeeze %dma_start3A_202 : memref<1x125xi32, #tpu.memory_space<vmem>> -> memref<125xi32, #tpu.memory_space<vmem>>
      %dma_start3A_204 = arith.constant 0 : i32
      %dma_start3A_205 = arith.constant 0 : i32
      %dma_start3A_206 = tpu.memref_slice %arg2[%arg0, %dma_start3A_204, %dma_start3A_205] : memref<2x10000x64xf32, #tpu.memory_space<hbm>> -> memref<1x10000x64xf32, #tpu.memory_space<hbm>>
      %dma_start3A_207 = tpu.memref_squeeze %dma_start3A_206 : memref<1x10000x64xf32, #tpu.memory_space<hbm>> -> memref<10000x64xf32, #tpu.memory_space<hbm>>
      %dma_start3A_208 = arith.constant 0 : i32
      %dma_start3A_209 = arith.constant 0 : i32
      %dma_start3A_210 = tpu.memref_slice %dma_start3A_207[%dma_start3A_208, %dma_start3A_209] : memref<10000x64xf32, #tpu.memory_space<hbm>> -> memref<10000x64xf32, #tpu.memory_space<hbm>>
      tpu.enqueue_indirect_dma source(%dma_start3A_210 : memref<10000x64xf32, #tpu.memory_space<hbm>>) target(%arg14 : memref<125x64xf32, #tpu.memory_space<vmem>>) offsets(%dma_start3A_203 : memref<125xi32, #tpu.memory_space<vmem>>) semaphore(%arg21 : memref<!tpu.dma_semaphore, #tpu.memory_space<semaphore_mem>>)
      %sub3A_211 = arith.constant 4 : i32
      %sub3A_212 = arith.subi %add3A_118, %sub3A_211 : i32
      %add3A_213 = arith.constant 3 : i32
      %add3A_214 = arith.addi %sub3A_212, %add3A_213 : i32
      %dma_wait3A_215 = arith.constant 0 : i32
      %dma_wait3A_216 = tpu.memref_slice %arg10[%add3A_214, %dma_wait3A_215] : memref<160x125xi32, #tpu.memory_space<vmem>> -> memref<1x125xi32, #tpu.memory_space<vmem>>
      %dma_wait3A_217 = tpu.memref_squeeze %dma_wait3A_216 : memref<1x125xi32, #tpu.memory_space<vmem>> -> memref<125xi32, #tpu.memory_space<vmem>>
      %dma_wait3A_218 = arith.constant 0 : i32
      %dma_wait3A_219 = arith.constant 0 : i32
      %dma_wait3A_220 = tpu.memref_slice %arg2[%arg0, %dma_wait3A_218, %dma_wait3A_219] : memref<2x10000x64xf32, #tpu.memory_space<hbm>> -> memref<1x10000x64xf32, #tpu.memory_space<hbm>>
      %dma_wait3A_221 = tpu.memref_squeeze %dma_wait3A_220 : memref<1x10000x64xf32, #tpu.memory_space<hbm>> -> memref<10000x64xf32, #tpu.memory_space<hbm>>
      %dma_wait3A_222 = arith.constant 0 : i32
      %dma_wait3A_223 = arith.constant 0 : i32
      %dma_wait3A_224 = tpu.memref_slice %dma_wait3A_221[%dma_wait3A_222, %dma_wait3A_223] : memref<10000x64xf32, #tpu.memory_space<hbm>> -> memref<10000x64xf32, #tpu.memory_space<hbm>>
      tpu.wait_indirect_dma semaphore(%arg22 : memref<!tpu.dma_semaphore, #tpu.memory_space<semaphore_mem>>) src(%dma_wait3A_224 : memref<10000x64xf32, #tpu.memory_space<hbm>>) dst(%arg15 : memref<125x64xf32, #tpu.memory_space<vmem>>)
      "tpu.region"() ({
        %run_scoped3A_242 = tpu.sem_alloc : memref<!tpu.dma_semaphore, #tpu.memory_space<semaphore_mem>>
        %dma_start3A_243 = arith.constant 0 : i32
        %dma_start3A_244 = tpu.memref_slice %arg11[%add3A_214, %dma_start3A_243] : memref<160x125xi32, #tpu.memory_space<vmem>> -> memref<1x125xi32, #tpu.memory_space<vmem>>
        %dma_start3A_245 = tpu.memref_squeeze %dma_start3A_244 : memref<1x125xi32, #tpu.memory_space<vmem>> -> memref<125xi32, #tpu.memory_space<vmem>>
        %dma_start3A_246 = arith.constant 0 : i32
        %dma_start3A_247 = arith.constant 0 : i32
        %dma_start3A_248 = tpu.memref_slice %arg17[%dma_start3A_246, %dma_start3A_247] : memref<10016x64xf32, #tpu.memory_space<vmem_shared>> -> memref<10016x64xf32, #tpu.memory_space<vmem_shared>>
        tpu.enqueue_indirect_dma source(%arg15 : memref<125x64xf32, #tpu.memory_space<vmem>>) target(%dma_start3A_248 : memref<10016x64xf32, #tpu.memory_space<vmem_shared>>) offsets(%dma_start3A_245 : memref<125xi32, #tpu.memory_space<vmem>>) semaphore(%run_scoped3A_242 : memref<!tpu.dma_semaphore, #tpu.memory_space<semaphore_mem>>) {add = true}
        %dma_wait3A_249 = arith.constant 0 : i32
        %dma_wait3A_250 = tpu.memref_slice %arg11[%add3A_214, %dma_wait3A_249] : memref<160x125xi32, #tpu.memory_space<vmem>> -> memref<1x125xi32, #tpu.memory_space<vmem>>
        %dma_wait3A_251 = tpu.memref_squeeze %dma_wait3A_250 : memref<1x125xi32, #tpu.memory_space<vmem>> -> memref<125xi32, #tpu.memory_space<vmem>>
        %dma_wait3A_252 = arith.constant 0 : i32
        %dma_wait3A_253 = arith.constant 0 : i32
        %dma_wait3A_254 = tpu.memref_slice %arg17[%dma_wait3A_252, %dma_wait3A_253] : memref<10016x64xf32, #tpu.memory_space<vmem_shared>> -> memref<10016x64xf32, #tpu.memory_space<vmem_shared>>
        tpu.wait_indirect_dma semaphore(%run_scoped3A_242 : memref<!tpu.dma_semaphore, #tpu.memory_space<semaphore_mem>>) src(%arg15 : memref<125x64xf32, #tpu.memory_space<vmem>>) dst(%dma_wait3A_254 : memref<10016x64xf32, #tpu.memory_space<vmem_shared>>)
        tpu.yield
      }) : () -> ()
      %eq3A_225 = arith.constant 1 : i32
      %eq3A_226 = arith.cmpi eq, %arg0, %eq3A_225 : i32
      %convert_element_type3A_227 = arith.extui %eq3A_226 : i1 to i32
      %cond3A_228 = arith.constant 0 : i32
      %cond3A_229 = arith.cmpi ne, %convert_element_type3A_227, %cond3A_228 : i32
      scf.if %cond3A_229 {
        "tpu.region"() ({
          %run_scoped3A_242 = tpu.sem_alloc : memref<!tpu.dma_semaphore, #tpu.memory_space<semaphore_mem>>
          %dma_start3A_243 = arith.constant 0 : i32
          %dma_start3A_244 = tpu.memref_slice %arg11[%add3A_214, %dma_start3A_243] : memref<160x125xi32, #tpu.memory_space<vmem>> -> memref<1x125xi32, #tpu.memory_space<vmem>>
          %dma_start3A_245 = tpu.memref_squeeze %dma_start3A_244 : memref<1x125xi32, #tpu.memory_space<vmem>> -> memref<125xi32, #tpu.memory_space<vmem>>
          %dma_start3A_246 = arith.constant 0 : i32
          %dma_start3A_247 = arith.constant 0 : i32
          %dma_start3A_248 = tpu.memref_slice %arg18[%dma_start3A_246, %dma_start3A_247] : memref<10016x16xf32, #tpu.memory_space<vmem_shared>> -> memref<10016x16xf32, #tpu.memory_space<vmem_shared>>
          tpu.enqueue_indirect_dma source(%arg16 : memref<125x16xf32, #tpu.memory_space<vmem>>) target(%dma_start3A_248 : memref<10016x16xf32, #tpu.memory_space<vmem_shared>>) offsets(%dma_start3A_245 : memref<125xi32, #tpu.memory_space<vmem>>) semaphore(%run_scoped3A_242 : memref<!tpu.dma_semaphore, #tpu.memory_space<semaphore_mem>>) {add = true}
          %dma_wait3A_249 = arith.constant 0 : i32
          %dma_wait3A_250 = tpu.memref_slice %arg11[%add3A_214, %dma_wait3A_249] : memref<160x125xi32, #tpu.memory_space<vmem>> -> memref<1x125xi32, #tpu.memory_space<vmem>>
          %dma_wait3A_251 = tpu.memref_squeeze %dma_wait3A_250 : memref<1x125xi32, #tpu.memory_space<vmem>> -> memref<125xi32, #tpu.memory_space<vmem>>
          %dma_wait3A_252 = arith.constant 0 : i32
          %dma_wait3A_253 = arith.constant 0 : i32
          %dma_wait3A_254 = tpu.memref_slice %arg18[%dma_wait3A_252, %dma_wait3A_253] : memref<10016x16xf32, #tpu.memory_space<vmem_shared>> -> memref<10016x16xf32, #tpu.memory_space<vmem_shared>>
          tpu.wait_indirect_dma semaphore(%run_scoped3A_242 : memref<!tpu.dma_semaphore, #tpu.memory_space<semaphore_mem>>) src(%arg16 : memref<125x16xf32, #tpu.memory_space<vmem>>) dst(%dma_wait3A_254 : memref<10016x16xf32, #tpu.memory_space<vmem_shared>>)
          tpu.yield
        }) : () -> ()
      } else {
      }
      %add3A_230 = arith.constant 3 : i32
      %add3A_231 = arith.addi %add3A_118, %add3A_230 : i32
      %dma_start3A_232 = arith.constant 0 : i32
      %dma_start3A_233 = tpu.memref_slice %arg10[%add3A_231, %dma_start3A_232] : memref<160x125xi32, #tpu.memory_space<vmem>> -> memref<1x125xi32, #tpu.memory_space<vmem>>
      %dma_start3A_234 = tpu.memref_squeeze %dma_start3A_233 : memref<1x125xi32, #tpu.memory_space<vmem>> -> memref<125xi32, #tpu.memory_space<vmem>>
      %dma_start3A_235 = arith.constant 0 : i32
      %dma_start3A_236 = arith.constant 0 : i32
      %dma_start3A_237 = tpu.memref_slice %arg2[%arg0, %dma_start3A_235, %dma_start3A_236] : memref<2x10000x64xf32, #tpu.memory_space<hbm>> -> memref<1x10000x64xf32, #tpu.memory_space<hbm>>
      %dma_start3A_238 = tpu.memref_squeeze %dma_start3A_237 : memref<1x10000x64xf32, #tpu.memory_space<hbm>> -> memref<10000x64xf32, #tpu.memory_space<hbm>>
      %dma_start3A_239 = arith.constant 0 : i32
      %dma_start3A_240 = arith.constant 0 : i32
      %dma_start3A_241 = tpu.memref_slice %dma_start3A_238[%dma_start3A_239, %dma_start3A_240] : memref<10000x64xf32, #tpu.memory_space<hbm>> -> memref<10000x64xf32, #tpu.memory_space<hbm>>
      tpu.enqueue_indirect_dma source(%dma_start3A_241 : memref<10000x64xf32, #tpu.memory_space<hbm>>) target(%arg15 : memref<125x64xf32, #tpu.memory_space<vmem>>) offsets(%dma_start3A_234 : memref<125xi32, #tpu.memory_space<vmem>>) semaphore(%arg22 : memref<!tpu.dma_semaphore, #tpu.memory_space<semaphore_mem>>)
    }
    %scan3A_49 = arith.constant 39 : i32
    %dma_wait3A = arith.constant 156 : i32
    %dma_wait3A_50 = arith.constant 0 : i32
    %dma_wait3A_51 = tpu.memref_slice %arg10[%dma_wait3A, %dma_wait3A_50] : memref<160x125xi32, #tpu.memory_space<vmem>> -> memref<1x125xi32, #tpu.memory_space<vmem>>
    %dma_wait3A_52 = tpu.memref_squeeze %dma_wait3A_51 : memref<1x125xi32, #tpu.memory_space<vmem>> -> memref<125xi32, #tpu.memory_space<vmem>>
    %dma_wait3A_53 = arith.constant 0 : i32
    %dma_wait3A_54 = arith.constant 0 : i32
    %dma_wait3A_55 = tpu.memref_slice %arg2[%arg0, %dma_wait3A_53, %dma_wait3A_54] : memref<2x10000x64xf32, #tpu.memory_space<hbm>> -> memref<1x10000x64xf32, #tpu.memory_space<hbm>>
    %dma_wait3A_56 = tpu.memref_squeeze %dma_wait3A_55 : memref<1x10000x64xf32, #tpu.memory_space<hbm>> -> memref<10000x64xf32, #tpu.memory_space<hbm>>
    %dma_wait3A_57 = arith.constant 0 : i32
    %dma_wait3A_58 = arith.constant 0 : i32
    %dma_wait3A_59 = tpu.memref_slice %dma_wait3A_56[%dma_wait3A_57, %dma_wait3A_58] : memref<10000x64xf32, #tpu.memory_space<hbm>> -> memref<10000x64xf32, #tpu.memory_space<hbm>>
    tpu.wait_indirect_dma semaphore(%arg19 : memref<!tpu.dma_semaphore, #tpu.memory_space<semaphore_mem>>) src(%dma_wait3A_59 : memref<10000x64xf32, #tpu.memory_space<hbm>>) dst(%arg12 : memref<125x64xf32, #tpu.memory_space<vmem>>)
    %run_scoped3A = arith.constant 156 : i32
    "tpu.region"() ({
      %run_scoped3A_114 = tpu.sem_alloc : memref<!tpu.dma_semaphore, #tpu.memory_space<semaphore_mem>>
      %dma_start3A_115 = arith.constant 0 : i32
      %dma_start3A_116 = tpu.memref_slice %arg11[%run_scoped3A, %dma_start3A_115] : memref<160x125xi32, #tpu.memory_space<vmem>> -> memref<1x125xi32, #tpu.memory_space<vmem>>
      %dma_start3A_117 = tpu.memref_squeeze %dma_start3A_116 : memref<1x125xi32, #tpu.memory_space<vmem>> -> memref<125xi32, #tpu.memory_space<vmem>>
      %dma_start3A_118 = arith.constant 0 : i32
      %dma_start3A_119 = arith.constant 0 : i32
      %dma_start3A_120 = tpu.memref_slice %arg17[%dma_start3A_118, %dma_start3A_119] : memref<10016x64xf32, #tpu.memory_space<vmem_shared>> -> memref<10016x64xf32, #tpu.memory_space<vmem_shared>>
      tpu.enqueue_indirect_dma source(%arg12 : memref<125x64xf32, #tpu.memory_space<vmem>>) target(%dma_start3A_120 : memref<10016x64xf32, #tpu.memory_space<vmem_shared>>) offsets(%dma_start3A_117 : memref<125xi32, #tpu.memory_space<vmem>>) semaphore(%run_scoped3A_114 : memref<!tpu.dma_semaphore, #tpu.memory_space<semaphore_mem>>) {add = true}
      %dma_wait3A_121 = arith.constant 0 : i32
      %dma_wait3A_122 = tpu.memref_slice %arg11[%run_scoped3A, %dma_wait3A_121] : memref<160x125xi32, #tpu.memory_space<vmem>> -> memref<1x125xi32, #tpu.memory_space<vmem>>
      %dma_wait3A_123 = tpu.memref_squeeze %dma_wait3A_122 : memref<1x125xi32, #tpu.memory_space<vmem>> -> memref<125xi32, #tpu.memory_space<vmem>>
      %dma_wait3A_124 = arith.constant 0 : i32
      %dma_wait3A_125 = arith.constant 0 : i32
      %dma_wait3A_126 = tpu.memref_slice %arg17[%dma_wait3A_124, %dma_wait3A_125] : memref<10016x64xf32, #tpu.memory_space<vmem_shared>> -> memref<10016x64xf32, #tpu.memory_space<vmem_shared>>
      tpu.wait_indirect_dma semaphore(%run_scoped3A_114 : memref<!tpu.dma_semaphore, #tpu.memory_space<semaphore_mem>>) src(%arg12 : memref<125x64xf32, #tpu.memory_space<vmem>>) dst(%dma_wait3A_126 : memref<10016x64xf32, #tpu.memory_space<vmem_shared>>)
      tpu.yield
    }) : () -> ()
    %eq3A = arith.constant 0 : i32
    %eq3A_60 = arith.cmpi eq, %arg0, %eq3A : i32
    %convert_element_type3A = arith.extui %eq3A_60 : i1 to i32
    %cond3A = arith.constant 0 : i32
    %cond3A_61 = arith.cmpi ne, %convert_element_type3A, %cond3A : i32
    scf.if %cond3A_61 {
      %run_scoped3A_114 = arith.constant 156 : i32
      "tpu.region"() ({
        %run_scoped3A_115 = tpu.sem_alloc : memref<!tpu.dma_semaphore, #tpu.memory_space<semaphore_mem>>
        %dma_start3A_116 = arith.constant 0 : i32
        %dma_start3A_117 = tpu.memref_slice %arg11[%run_scoped3A_114, %dma_start3A_116] : memref<160x125xi32, #tpu.memory_space<vmem>> -> memref<1x125xi32, #tpu.memory_space<vmem>>
        %dma_start3A_118 = tpu.memref_squeeze %dma_start3A_117 : memref<1x125xi32, #tpu.memory_space<vmem>> -> memref<125xi32, #tpu.memory_space<vmem>>
        %dma_start3A_119 = arith.constant 0 : i32
        %dma_start3A_120 = arith.constant 0 : i32
        %dma_start3A_121 = tpu.memref_slice %arg18[%dma_start3A_119, %dma_start3A_120] : memref<10016x16xf32, #tpu.memory_space<vmem_shared>> -> memref<10016x16xf32, #tpu.memory_space<vmem_shared>>
        tpu.enqueue_indirect_dma source(%arg16 : memref<125x16xf32, #tpu.memory_space<vmem>>) target(%dma_start3A_121 : memref<10016x16xf32, #tpu.memory_space<vmem_shared>>) offsets(%dma_start3A_118 : memref<125xi32, #tpu.memory_space<vmem>>) semaphore(%run_scoped3A_115 : memref<!tpu.dma_semaphore, #tpu.memory_space<semaphore_mem>>) {add = true}
        %dma_wait3A_122 = arith.constant 0 : i32
        %dma_wait3A_123 = tpu.memref_slice %arg11[%run_scoped3A_114, %dma_wait3A_122] : memref<160x125xi32, #tpu.memory_space<vmem>> -> memref<1x125xi32, #tpu.memory_space<vmem>>
        %dma_wait3A_124 = tpu.memref_squeeze %dma_wait3A_123 : memref<1x125xi32, #tpu.memory_space<vmem>> -> memref<125xi32, #tpu.memory_space<vmem>>
        %dma_wait3A_125 = arith.constant 0 : i32
        %dma_wait3A_126 = arith.constant 0 : i32
        %dma_wait3A_127 = tpu.memref_slice %arg18[%dma_wait3A_125, %dma_wait3A_126] : memref<10016x16xf32, #tpu.memory_space<vmem_shared>> -> memref<10016x16xf32, #tpu.memory_space<vmem_shared>>
        tpu.wait_indirect_dma semaphore(%run_scoped3A_115 : memref<!tpu.dma_semaphore, #tpu.memory_space<semaphore_mem>>) src(%arg16 : memref<125x16xf32, #tpu.memory_space<vmem>>) dst(%dma_wait3A_127 : memref<10016x16xf32, #tpu.memory_space<vmem_shared>>)
        tpu.yield
      }) : () -> ()
    } else {
    }
    %dma_wait3A_62 = arith.constant 157 : i32
    %dma_wait3A_63 = arith.constant 0 : i32
    %dma_wait3A_64 = tpu.memref_slice %arg10[%dma_wait3A_62, %dma_wait3A_63] : memref<160x125xi32, #tpu.memory_space<vmem>> -> memref<1x125xi32, #tpu.memory_space<vmem>>
    %dma_wait3A_65 = tpu.memref_squeeze %dma_wait3A_64 : memref<1x125xi32, #tpu.memory_space<vmem>> -> memref<125xi32, #tpu.memory_space<vmem>>
    %dma_wait3A_66 = arith.constant 0 : i32
    %dma_wait3A_67 = arith.constant 0 : i32
    %dma_wait3A_68 = tpu.memref_slice %arg2[%arg0, %dma_wait3A_66, %dma_wait3A_67] : memref<2x10000x64xf32, #tpu.memory_space<hbm>> -> memref<1x10000x64xf32, #tpu.memory_space<hbm>>
    %dma_wait3A_69 = tpu.memref_squeeze %dma_wait3A_68 : memref<1x10000x64xf32, #tpu.memory_space<hbm>> -> memref<10000x64xf32, #tpu.memory_space<hbm>>
    %dma_wait3A_70 = arith.constant 0 : i32
    %dma_wait3A_71 = arith.constant 0 : i32
    %dma_wait3A_72 = tpu.memref_slice %dma_wait3A_69[%dma_wait3A_70, %dma_wait3A_71] : memref<10000x64xf32, #tpu.memory_space<hbm>> -> memref<10000x64xf32, #tpu.memory_space<hbm>>
    tpu.wait_indirect_dma semaphore(%arg20 : memref<!tpu.dma_semaphore, #tpu.memory_space<semaphore_mem>>) src(%dma_wait3A_72 : memref<10000x64xf32, #tpu.memory_space<hbm>>) dst(%arg13 : memref<125x64xf32, #tpu.memory_space<vmem>>)
    %run_scoped3A_73 = arith.constant 157 : i32
    "tpu.region"() ({
      %run_scoped3A_114 = tpu.sem_alloc : memref<!tpu.dma_semaphore, #tpu.memory_space<semaphore_mem>>
      %dma_start3A_115 = arith.constant 0 : i32
      %dma_start3A_116 = tpu.memref_slice %arg11[%run_scoped3A_73, %dma_start3A_115] : memref<160x125xi32, #tpu.memory_space<vmem>> -> memref<1x125xi32, #tpu.memory_space<vmem>>
      %dma_start3A_117 = tpu.memref_squeeze %dma_start3A_116 : memref<1x125xi32, #tpu.memory_space<vmem>> -> memref<125xi32, #tpu.memory_space<vmem>>
      %dma_start3A_118 = arith.constant 0 : i32
      %dma_start3A_119 = arith.constant 0 : i32
      %dma_start3A_120 = tpu.memref_slice %arg17[%dma_start3A_118, %dma_start3A_119] : memref<10016x64xf32, #tpu.memory_space<vmem_shared>> -> memref<10016x64xf32, #tpu.memory_space<vmem_shared>>
      tpu.enqueue_indirect_dma source(%arg13 : memref<125x64xf32, #tpu.memory_space<vmem>>) target(%dma_start3A_120 : memref<10016x64xf32, #tpu.memory_space<vmem_shared>>) offsets(%dma_start3A_117 : memref<125xi32, #tpu.memory_space<vmem>>) semaphore(%run_scoped3A_114 : memref<!tpu.dma_semaphore, #tpu.memory_space<semaphore_mem>>) {add = true}
      %dma_wait3A_121 = arith.constant 0 : i32
      %dma_wait3A_122 = tpu.memref_slice %arg11[%run_scoped3A_73, %dma_wait3A_121] : memref<160x125xi32, #tpu.memory_space<vmem>> -> memref<1x125xi32, #tpu.memory_space<vmem>>
      %dma_wait3A_123 = tpu.memref_squeeze %dma_wait3A_122 : memref<1x125xi32, #tpu.memory_space<vmem>> -> memref<125xi32, #tpu.memory_space<vmem>>
      %dma_wait3A_124 = arith.constant 0 : i32
      %dma_wait3A_125 = arith.constant 0 : i32
      %dma_wait3A_126 = tpu.memref_slice %arg17[%dma_wait3A_124, %dma_wait3A_125] : memref<10016x64xf32, #tpu.memory_space<vmem_shared>> -> memref<10016x64xf32, #tpu.memory_space<vmem_shared>>
      tpu.wait_indirect_dma semaphore(%run_scoped3A_114 : memref<!tpu.dma_semaphore, #tpu.memory_space<semaphore_mem>>) src(%arg13 : memref<125x64xf32, #tpu.memory_space<vmem>>) dst(%dma_wait3A_126 : memref<10016x64xf32, #tpu.memory_space<vmem_shared>>)
      tpu.yield
    }) : () -> ()
    %eq3A_74 = arith.constant 1 : i32
    %eq3A_75 = arith.cmpi eq, %arg0, %eq3A_74 : i32
    %convert_element_type3A_76 = arith.extui %eq3A_75 : i1 to i32
    %cond3A_77 = arith.constant 0 : i32
    %cond3A_78 = arith.cmpi ne, %convert_element_type3A_76, %cond3A_77 : i32
    scf.if %cond3A_78 {
      %run_scoped3A_114 = arith.constant 157 : i32
      "tpu.region"() ({
        %run_scoped3A_115 = tpu.sem_alloc : memref<!tpu.dma_semaphore, #tpu.memory_space<semaphore_mem>>
        %dma_start3A_116 = arith.constant 0 : i32
        %dma_start3A_117 = tpu.memref_slice %arg11[%run_scoped3A_114, %dma_start3A_116] : memref<160x125xi32, #tpu.memory_space<vmem>> -> memref<1x125xi32, #tpu.memory_space<vmem>>
        %dma_start3A_118 = tpu.memref_squeeze %dma_start3A_117 : memref<1x125xi32, #tpu.memory_space<vmem>> -> memref<125xi32, #tpu.memory_space<vmem>>
        %dma_start3A_119 = arith.constant 0 : i32
        %dma_start3A_120 = arith.constant 0 : i32
        %dma_start3A_121 = tpu.memref_slice %arg18[%dma_start3A_119, %dma_start3A_120] : memref<10016x16xf32, #tpu.memory_space<vmem_shared>> -> memref<10016x16xf32, #tpu.memory_space<vmem_shared>>
        tpu.enqueue_indirect_dma source(%arg16 : memref<125x16xf32, #tpu.memory_space<vmem>>) target(%dma_start3A_121 : memref<10016x16xf32, #tpu.memory_space<vmem_shared>>) offsets(%dma_start3A_118 : memref<125xi32, #tpu.memory_space<vmem>>) semaphore(%run_scoped3A_115 : memref<!tpu.dma_semaphore, #tpu.memory_space<semaphore_mem>>) {add = true}
        %dma_wait3A_122 = arith.constant 0 : i32
        %dma_wait3A_123 = tpu.memref_slice %arg11[%run_scoped3A_114, %dma_wait3A_122] : memref<160x125xi32, #tpu.memory_space<vmem>> -> memref<1x125xi32, #tpu.memory_space<vmem>>
        %dma_wait3A_124 = tpu.memref_squeeze %dma_wait3A_123 : memref<1x125xi32, #tpu.memory_space<vmem>> -> memref<125xi32, #tpu.memory_space<vmem>>
        %dma_wait3A_125 = arith.constant 0 : i32
        %dma_wait3A_126 = arith.constant 0 : i32
        %dma_wait3A_127 = tpu.memref_slice %arg18[%dma_wait3A_125, %dma_wait3A_126] : memref<10016x16xf32, #tpu.memory_space<vmem_shared>> -> memref<10016x16xf32, #tpu.memory_space<vmem_shared>>
        tpu.wait_indirect_dma semaphore(%run_scoped3A_115 : memref<!tpu.dma_semaphore, #tpu.memory_space<semaphore_mem>>) src(%arg16 : memref<125x16xf32, #tpu.memory_space<vmem>>) dst(%dma_wait3A_127 : memref<10016x16xf32, #tpu.memory_space<vmem_shared>>)
        tpu.yield
      }) : () -> ()
    } else {
    }
    %dma_wait3A_79 = arith.constant 158 : i32
    %dma_wait3A_80 = arith.constant 0 : i32
    %dma_wait3A_81 = tpu.memref_slice %arg10[%dma_wait3A_79, %dma_wait3A_80] : memref<160x125xi32, #tpu.memory_space<vmem>> -> memref<1x125xi32, #tpu.memory_space<vmem>>
    %dma_wait3A_82 = tpu.memref_squeeze %dma_wait3A_81 : memref<1x125xi32, #tpu.memory_space<vmem>> -> memref<125xi32, #tpu.memory_space<vmem>>
    %dma_wait3A_83 = arith.constant 0 : i32
    %dma_wait3A_84 = arith.constant 0 : i32
    %dma_wait3A_85 = tpu.memref_slice %arg2[%arg0, %dma_wait3A_83, %dma_wait3A_84] : memref<2x10000x64xf32, #tpu.memory_space<hbm>> -> memref<1x10000x64xf32, #tpu.memory_space<hbm>>
    %dma_wait3A_86 = tpu.memref_squeeze %dma_wait3A_85 : memref<1x10000x64xf32, #tpu.memory_space<hbm>> -> memref<10000x64xf32, #tpu.memory_space<hbm>>
    %dma_wait3A_87 = arith.constant 0 : i32
    %dma_wait3A_88 = arith.constant 0 : i32
    %dma_wait3A_89 = tpu.memref_slice %dma_wait3A_86[%dma_wait3A_87, %dma_wait3A_88] : memref<10000x64xf32, #tpu.memory_space<hbm>> -> memref<10000x64xf32, #tpu.memory_space<hbm>>
    tpu.wait_indirect_dma semaphore(%arg21 : memref<!tpu.dma_semaphore, #tpu.memory_space<semaphore_mem>>) src(%dma_wait3A_89 : memref<10000x64xf32, #tpu.memory_space<hbm>>) dst(%arg14 : memref<125x64xf32, #tpu.memory_space<vmem>>)
    %run_scoped3A_90 = arith.constant 158 : i32
    "tpu.region"() ({
      %run_scoped3A_114 = tpu.sem_alloc : memref<!tpu.dma_semaphore, #tpu.memory_space<semaphore_mem>>
      %dma_start3A_115 = arith.constant 0 : i32
      %dma_start3A_116 = tpu.memref_slice %arg11[%run_scoped3A_90, %dma_start3A_115] : memref<160x125xi32, #tpu.memory_space<vmem>> -> memref<1x125xi32, #tpu.memory_space<vmem>>
      %dma_start3A_117 = tpu.memref_squeeze %dma_start3A_116 : memref<1x125xi32, #tpu.memory_space<vmem>> -> memref<125xi32, #tpu.memory_space<vmem>>
      %dma_start3A_118 = arith.constant 0 : i32
      %dma_start3A_119 = arith.constant 0 : i32
      %dma_start3A_120 = tpu.memref_slice %arg17[%dma_start3A_118, %dma_start3A_119] : memref<10016x64xf32, #tpu.memory_space<vmem_shared>> -> memref<10016x64xf32, #tpu.memory_space<vmem_shared>>
      tpu.enqueue_indirect_dma source(%arg14 : memref<125x64xf32, #tpu.memory_space<vmem>>) target(%dma_start3A_120 : memref<10016x64xf32, #tpu.memory_space<vmem_shared>>) offsets(%dma_start3A_117 : memref<125xi32, #tpu.memory_space<vmem>>) semaphore(%run_scoped3A_114 : memref<!tpu.dma_semaphore, #tpu.memory_space<semaphore_mem>>) {add = true}
      %dma_wait3A_121 = arith.constant 0 : i32
      %dma_wait3A_122 = tpu.memref_slice %arg11[%run_scoped3A_90, %dma_wait3A_121] : memref<160x125xi32, #tpu.memory_space<vmem>> -> memref<1x125xi32, #tpu.memory_space<vmem>>
      %dma_wait3A_123 = tpu.memref_squeeze %dma_wait3A_122 : memref<1x125xi32, #tpu.memory_space<vmem>> -> memref<125xi32, #tpu.memory_space<vmem>>
      %dma_wait3A_124 = arith.constant 0 : i32
      %dma_wait3A_125 = arith.constant 0 : i32
      %dma_wait3A_126 = tpu.memref_slice %arg17[%dma_wait3A_124, %dma_wait3A_125] : memref<10016x64xf32, #tpu.memory_space<vmem_shared>> -> memref<10016x64xf32, #tpu.memory_space<vmem_shared>>
      tpu.wait_indirect_dma semaphore(%run_scoped3A_114 : memref<!tpu.dma_semaphore, #tpu.memory_space<semaphore_mem>>) src(%arg14 : memref<125x64xf32, #tpu.memory_space<vmem>>) dst(%dma_wait3A_126 : memref<10016x64xf32, #tpu.memory_space<vmem_shared>>)
      tpu.yield
    }) : () -> ()
    %eq3A_91 = arith.constant 0 : i32
    %eq3A_92 = arith.cmpi eq, %arg0, %eq3A_91 : i32
    %convert_element_type3A_93 = arith.extui %eq3A_92 : i1 to i32
    %cond3A_94 = arith.constant 0 : i32
    %cond3A_95 = arith.cmpi ne, %convert_element_type3A_93, %cond3A_94 : i32
    scf.if %cond3A_95 {
      %run_scoped3A_114 = arith.constant 158 : i32
      "tpu.region"() ({
        %run_scoped3A_115 = tpu.sem_alloc : memref<!tpu.dma_semaphore, #tpu.memory_space<semaphore_mem>>
        %dma_start3A_116 = arith.constant 0 : i32
        %dma_start3A_117 = tpu.memref_slice %arg11[%run_scoped3A_114, %dma_start3A_116] : memref<160x125xi32, #tpu.memory_space<vmem>> -> memref<1x125xi32, #tpu.memory_space<vmem>>
        %dma_start3A_118 = tpu.memref_squeeze %dma_start3A_117 : memref<1x125xi32, #tpu.memory_space<vmem>> -> memref<125xi32, #tpu.memory_space<vmem>>
        %dma_start3A_119 = arith.constant 0 : i32
        %dma_start3A_120 = arith.constant 0 : i32
        %dma_start3A_121 = tpu.memref_slice %arg18[%dma_start3A_119, %dma_start3A_120] : memref<10016x16xf32, #tpu.memory_space<vmem_shared>> -> memref<10016x16xf32, #tpu.memory_space<vmem_shared>>
        tpu.enqueue_indirect_dma source(%arg16 : memref<125x16xf32, #tpu.memory_space<vmem>>) target(%dma_start3A_121 : memref<10016x16xf32, #tpu.memory_space<vmem_shared>>) offsets(%dma_start3A_118 : memref<125xi32, #tpu.memory_space<vmem>>) semaphore(%run_scoped3A_115 : memref<!tpu.dma_semaphore, #tpu.memory_space<semaphore_mem>>) {add = true}
        %dma_wait3A_122 = arith.constant 0 : i32
        %dma_wait3A_123 = tpu.memref_slice %arg11[%run_scoped3A_114, %dma_wait3A_122] : memref<160x125xi32, #tpu.memory_space<vmem>> -> memref<1x125xi32, #tpu.memory_space<vmem>>
        %dma_wait3A_124 = tpu.memref_squeeze %dma_wait3A_123 : memref<1x125xi32, #tpu.memory_space<vmem>> -> memref<125xi32, #tpu.memory_space<vmem>>
        %dma_wait3A_125 = arith.constant 0 : i32
        %dma_wait3A_126 = arith.constant 0 : i32
        %dma_wait3A_127 = tpu.memref_slice %arg18[%dma_wait3A_125, %dma_wait3A_126] : memref<10016x16xf32, #tpu.memory_space<vmem_shared>> -> memref<10016x16xf32, #tpu.memory_space<vmem_shared>>
        tpu.wait_indirect_dma semaphore(%run_scoped3A_115 : memref<!tpu.dma_semaphore, #tpu.memory_space<semaphore_mem>>) src(%arg16 : memref<125x16xf32, #tpu.memory_space<vmem>>) dst(%dma_wait3A_127 : memref<10016x16xf32, #tpu.memory_space<vmem_shared>>)
        tpu.yield
      }) : () -> ()
    } else {
    }
    %dma_wait3A_96 = arith.constant 159 : i32
    %dma_wait3A_97 = arith.constant 0 : i32
    %dma_wait3A_98 = tpu.memref_slice %arg10[%dma_wait3A_96, %dma_wait3A_97] : memref<160x125xi32, #tpu.memory_space<vmem>> -> memref<1x125xi32, #tpu.memory_space<vmem>>
    %dma_wait3A_99 = tpu.memref_squeeze %dma_wait3A_98 : memref<1x125xi32, #tpu.memory_space<vmem>> -> memref<125xi32, #tpu.memory_space<vmem>>
    %dma_wait3A_100 = arith.constant 0 : i32
    %dma_wait3A_101 = arith.constant 0 : i32
    %dma_wait3A_102 = tpu.memref_slice %arg2[%arg0, %dma_wait3A_100, %dma_wait3A_101] : memref<2x10000x64xf32, #tpu.memory_space<hbm>> -> memref<1x10000x64xf32, #tpu.memory_space<hbm>>
    %dma_wait3A_103 = tpu.memref_squeeze %dma_wait3A_102 : memref<1x10000x64xf32, #tpu.memory_space<hbm>> -> memref<10000x64xf32, #tpu.memory_space<hbm>>
    %dma_wait3A_104 = arith.constant 0 : i32
    %dma_wait3A_105 = arith.constant 0 : i32
    %dma_wait3A_106 = tpu.memref_slice %dma_wait3A_103[%dma_wait3A_104, %dma_wait3A_105] : memref<10000x64xf32, #tpu.memory_space<hbm>> -> memref<10000x64xf32, #tpu.memory_space<hbm>>
    tpu.wait_indirect_dma semaphore(%arg22 : memref<!tpu.dma_semaphore, #tpu.memory_space<semaphore_mem>>) src(%dma_wait3A_106 : memref<10000x64xf32, #tpu.memory_space<hbm>>) dst(%arg15 : memref<125x64xf32, #tpu.memory_space<vmem>>)
    %run_scoped3A_107 = arith.constant 159 : i32
    "tpu.region"() ({
      %run_scoped3A_114 = tpu.sem_alloc : memref<!tpu.dma_semaphore, #tpu.memory_space<semaphore_mem>>
      %dma_start3A_115 = arith.constant 0 : i32
      %dma_start3A_116 = tpu.memref_slice %arg11[%run_scoped3A_107, %dma_start3A_115] : memref<160x125xi32, #tpu.memory_space<vmem>> -> memref<1x125xi32, #tpu.memory_space<vmem>>
      %dma_start3A_117 = tpu.memref_squeeze %dma_start3A_116 : memref<1x125xi32, #tpu.memory_space<vmem>> -> memref<125xi32, #tpu.memory_space<vmem>>
      %dma_start3A_118 = arith.constant 0 : i32
      %dma_start3A_119 = arith.constant 0 : i32
      %dma_start3A_120 = tpu.memref_slice %arg17[%dma_start3A_118, %dma_start3A_119] : memref<10016x64xf32, #tpu.memory_space<vmem_shared>> -> memref<10016x64xf32, #tpu.memory_space<vmem_shared>>
      tpu.enqueue_indirect_dma source(%arg15 : memref<125x64xf32, #tpu.memory_space<vmem>>) target(%dma_start3A_120 : memref<10016x64xf32, #tpu.memory_space<vmem_shared>>) offsets(%dma_start3A_117 : memref<125xi32, #tpu.memory_space<vmem>>) semaphore(%run_scoped3A_114 : memref<!tpu.dma_semaphore, #tpu.memory_space<semaphore_mem>>) {add = true}
      %dma_wait3A_121 = arith.constant 0 : i32
      %dma_wait3A_122 = tpu.memref_slice %arg11[%run_scoped3A_107, %dma_wait3A_121] : memref<160x125xi32, #tpu.memory_space<vmem>> -> memref<1x125xi32, #tpu.memory_space<vmem>>
      %dma_wait3A_123 = tpu.memref_squeeze %dma_wait3A_122 : memref<1x125xi32, #tpu.memory_space<vmem>> -> memref<125xi32, #tpu.memory_space<vmem>>
      %dma_wait3A_124 = arith.constant 0 : i32
      %dma_wait3A_125 = arith.constant 0 : i32
      %dma_wait3A_126 = tpu.memref_slice %arg17[%dma_wait3A_124, %dma_wait3A_125] : memref<10016x64xf32, #tpu.memory_space<vmem_shared>> -> memref<10016x64xf32, #tpu.memory_space<vmem_shared>>
      tpu.wait_indirect_dma semaphore(%run_scoped3A_114 : memref<!tpu.dma_semaphore, #tpu.memory_space<semaphore_mem>>) src(%arg15 : memref<125x64xf32, #tpu.memory_space<vmem>>) dst(%dma_wait3A_126 : memref<10016x64xf32, #tpu.memory_space<vmem_shared>>)
      tpu.yield
    }) : () -> ()
    %eq3A_108 = arith.constant 1 : i32
    %eq3A_109 = arith.cmpi eq, %arg0, %eq3A_108 : i32
    %convert_element_type3A_110 = arith.extui %eq3A_109 : i1 to i32
    %cond3A_111 = arith.constant 0 : i32
    %cond3A_112 = arith.cmpi ne, %convert_element_type3A_110, %cond3A_111 : i32
    scf.if %cond3A_112 {
      %run_scoped3A_114 = arith.constant 159 : i32
      "tpu.region"() ({
        %run_scoped3A_115 = tpu.sem_alloc : memref<!tpu.dma_semaphore, #tpu.memory_space<semaphore_mem>>
        %dma_start3A_116 = arith.constant 0 : i32
        %dma_start3A_117 = tpu.memref_slice %arg11[%run_scoped3A_114, %dma_start3A_116] : memref<160x125xi32, #tpu.memory_space<vmem>> -> memref<1x125xi32, #tpu.memory_space<vmem>>
        %dma_start3A_118 = tpu.memref_squeeze %dma_start3A_117 : memref<1x125xi32, #tpu.memory_space<vmem>> -> memref<125xi32, #tpu.memory_space<vmem>>
        %dma_start3A_119 = arith.constant 0 : i32
        %dma_start3A_120 = arith.constant 0 : i32
        %dma_start3A_121 = tpu.memref_slice %arg18[%dma_start3A_119, %dma_start3A_120] : memref<10016x16xf32, #tpu.memory_space<vmem_shared>> -> memref<10016x16xf32, #tpu.memory_space<vmem_shared>>
        tpu.enqueue_indirect_dma source(%arg16 : memref<125x16xf32, #tpu.memory_space<vmem>>) target(%dma_start3A_121 : memref<10016x16xf32, #tpu.memory_space<vmem_shared>>) offsets(%dma_start3A_118 : memref<125xi32, #tpu.memory_space<vmem>>) semaphore(%run_scoped3A_115 : memref<!tpu.dma_semaphore, #tpu.memory_space<semaphore_mem>>) {add = true}
        %dma_wait3A_122 = arith.constant 0 : i32
        %dma_wait3A_123 = tpu.memref_slice %arg11[%run_scoped3A_114, %dma_wait3A_122] : memref<160x125xi32, #tpu.memory_space<vmem>> -> memref<1x125xi32, #tpu.memory_space<vmem>>
        %dma_wait3A_124 = tpu.memref_squeeze %dma_wait3A_123 : memref<1x125xi32, #tpu.memory_space<vmem>> -> memref<125xi32, #tpu.memory_space<vmem>>
        %dma_wait3A_125 = arith.constant 0 : i32
        %dma_wait3A_126 = arith.constant 0 : i32
        %dma_wait3A_127 = tpu.memref_slice %arg18[%dma_wait3A_125, %dma_wait3A_126] : memref<10016x16xf32, #tpu.memory_space<vmem_shared>> -> memref<10016x16xf32, #tpu.memory_space<vmem_shared>>
        tpu.wait_indirect_dma semaphore(%run_scoped3A_115 : memref<!tpu.dma_semaphore, #tpu.memory_space<semaphore_mem>>) src(%arg16 : memref<125x16xf32, #tpu.memory_space<vmem>>) dst(%dma_wait3A_127 : memref<10016x16xf32, #tpu.memory_space<vmem_shared>>)
        tpu.yield
      }) : () -> ()
    } else {
    }
    %barrier3A_113 = arith.constant 0 : index
    tpu.barrier barrier_id(%barrier3A_113)
    "tpu.region"() ({
      %run_scoped3A_114 = tpu.sem_alloc : memref<!tpu.dma_semaphore, #tpu.memory_space<semaphore_mem>>
      %dma_start3A_115 = arith.constant 0 : i32
      %dma_start3A_116 = arith.constant 0 : i32
      %dma_start3A_117 = tpu.memref_slice %arg8[%add3A, %dma_start3A_115, %dma_start3A_116] : memref<32x625x64xf32, #tpu.memory_space<hbm>> -> memref<1x625x64xf32, #tpu.memory_space<hbm>>
      %dma_start3A_118 = tpu.memref_squeeze %dma_start3A_117 : memref<1x625x64xf32, #tpu.memory_space<hbm>> -> memref<625x64xf32, #tpu.memory_space<hbm>>
      %dma_start3A_119 = arith.constant 0 : i32
      %dma_start3A_120 = tpu.memref_slice %arg17[%mul3A_2, %dma_start3A_119] : memref<10016x64xf32, #tpu.memory_space<vmem_shared>> -> memref<625x64xf32, #tpu.memory_space<vmem_shared>>
      tpu.enqueue_dma source(%dma_start3A_120 : memref<625x64xf32, #tpu.memory_space<vmem_shared>>) target(%dma_start3A_118 : memref<625x64xf32, #tpu.memory_space<hbm>>) target_semaphore(%run_scoped3A_114 : memref<!tpu.dma_semaphore, #tpu.memory_space<semaphore_mem>>)
      %dma_wait3A_121 = arith.constant 0 : i32
      %dma_wait3A_122 = arith.constant 0 : i32
      %dma_wait3A_123 = tpu.memref_slice %arg8[%add3A, %dma_wait3A_121, %dma_wait3A_122] : memref<32x625x64xf32, #tpu.memory_space<hbm>> -> memref<1x625x64xf32, #tpu.memory_space<hbm>>
      %dma_wait3A_124 = tpu.memref_squeeze %dma_wait3A_123 : memref<1x625x64xf32, #tpu.memory_space<hbm>> -> memref<625x64xf32, #tpu.memory_space<hbm>>
      %dma_wait3A_125 = arith.constant 0 : i32
      %dma_wait3A_126 = tpu.memref_slice %arg17[%mul3A_2, %dma_wait3A_125] : memref<10016x64xf32, #tpu.memory_space<vmem_shared>> -> memref<625x64xf32, #tpu.memory_space<vmem_shared>>
      tpu.wait_dma2 semaphore(%run_scoped3A_114 : memref<!tpu.dma_semaphore, #tpu.memory_space<semaphore_mem>>) src(%dma_wait3A_126 : memref<625x64xf32, #tpu.memory_space<vmem_shared>>) dst(%dma_wait3A_124 : memref<625x64xf32, #tpu.memory_space<hbm>>)
      tpu.yield
    }) : () -> ()
    "tpu.region"() ({
      %run_scoped3A_114 = tpu.sem_alloc : memref<!tpu.dma_semaphore, #tpu.memory_space<semaphore_mem>>
      %dma_start3A_115 = arith.constant 0 : i32
      %dma_start3A_116 = arith.constant 0 : i32
      %dma_start3A_117 = tpu.memref_slice %arg9[%add3A, %dma_start3A_115, %dma_start3A_116] : memref<32x625x16xf32, #tpu.memory_space<hbm>> -> memref<1x625x16xf32, #tpu.memory_space<hbm>>
      %dma_start3A_118 = tpu.memref_squeeze %dma_start3A_117 : memref<1x625x16xf32, #tpu.memory_space<hbm>> -> memref<625x16xf32, #tpu.memory_space<hbm>>
      %dma_start3A_119 = arith.constant 0 : i32
      %dma_start3A_120 = tpu.memref_slice %arg18[%mul3A_2, %dma_start3A_119] : memref<10016x16xf32, #tpu.memory_space<vmem_shared>> -> memref<625x16xf32, #tpu.memory_space<vmem_shared>>
      tpu.enqueue_dma source(%dma_start3A_120 : memref<625x16xf32, #tpu.memory_space<vmem_shared>>) target(%dma_start3A_118 : memref<625x16xf32, #tpu.memory_space<hbm>>) target_semaphore(%run_scoped3A_114 : memref<!tpu.dma_semaphore, #tpu.memory_space<semaphore_mem>>)
      %dma_wait3A_121 = arith.constant 0 : i32
      %dma_wait3A_122 = arith.constant 0 : i32
      %dma_wait3A_123 = tpu.memref_slice %arg9[%add3A, %dma_wait3A_121, %dma_wait3A_122] : memref<32x625x16xf32, #tpu.memory_space<hbm>> -> memref<1x625x16xf32, #tpu.memory_space<hbm>>
      %dma_wait3A_124 = tpu.memref_squeeze %dma_wait3A_123 : memref<1x625x16xf32, #tpu.memory_space<hbm>> -> memref<625x16xf32, #tpu.memory_space<hbm>>
      %dma_wait3A_125 = arith.constant 0 : i32
      %dma_wait3A_126 = tpu.memref_slice %arg18[%mul3A_2, %dma_wait3A_125] : memref<10016x16xf32, #tpu.memory_space<vmem_shared>> -> memref<625x16xf32, #tpu.memory_space<vmem_shared>>
      tpu.wait_dma2 semaphore(%run_scoped3A_114 : memref<!tpu.dma_semaphore, #tpu.memory_space<semaphore_mem>>) src(%dma_wait3A_126 : memref<625x16xf32, #tpu.memory_space<vmem_shared>>) dst(%dma_wait3A_124 : memref<625x16xf32, #tpu.memory_space<hbm>>)
      tpu.yield
    }) : () -> ()
    return
  }
}

module attributes {stable_mosaic.version = 14 : i64} {
  func.func @_tc_prologue_body(%arg0: i32, %arg1: memref<2000x128xf32, #tpu.memory_space<vmem>>, %arg2: memref<128x128xf32, #tpu.memory_space<vmem>>, %arg3: memref<2000x128xf32, #tpu.memory_space<vmem>>, %arg4: memref<2x1000x128xf32, #tpu.memory_space<vmem>>) attributes {dimension_semantics = [#tpu.dimension_semantics<arbitrary>], iteration_bounds = array<i64: 5>, scalar_prefetch = 0 : i64, scratch_operands = 0 : i64, tpu.core_type = #tpu.core_type<tc>, window_params = [{transform_indices = @transform_0, window_bounds = array<i64: 2000, 128>}, {pipeline_mode = #tpu.pipeline_mode<synchronous>, transform_indices = @transform_1, window_bounds = array<i64: 128, 128>}, {transform_indices = @transform_2, window_bounds = array<i64: 2000, 128>}, {transform_indices = @transform_3, window_bounds = array<i64: 2, 1000, 128>}]} {
    %get3A = arith.constant 0 : index
    %get3A_0 = arith.constant 0 : index
    %get3A_1 = vector.load %arg1[%get3A, %get3A_0] : memref<2000x128xf32, #tpu.memory_space<vmem>>, vector<2000x128xf32>
    %get3A_2 = arith.constant 0 : index
    %get3A_3 = arith.constant 0 : index
    %get3A_4 = vector.load %arg2[%get3A_2, %get3A_3] : memref<128x128xf32, #tpu.memory_space<vmem>>, vector<128x128xf32>
    %dot_general3A = arith.constant dense<0.000000e+00> : vector<2000x128xf32>
    %dot_general3A_5 = tpu.matmul %get3A_1, %get3A_4, %dot_general3A {dimension_numbers = #tpu.dot_dimension_numbers<[1], [0], [0], [1], [0, 0, 1, 1], [], []>, precision = #tpu.contract_precision<fp32>, transpose_lhs_hint = false} : vector<2000x128xf32>, vector<128x128xf32>, vector<2000x128xf32> -> vector<2000x128xf32>
    %max3A = arith.constant 0.000000e+00 : f32
    %max3A_6 = vector.broadcast %max3A : f32 to vector<2000x128xf32>
    %max3A_7 = arith.maximumf %dot_general3A_5, %max3A_6 : vector<2000x128xf32>
    %swap3A = arith.constant 0 : index
    %swap3A_8 = arith.constant 0 : index
    %swap3A_9 = vector.load %arg3[%swap3A, %swap3A_8] : memref<2000x128xf32, #tpu.memory_space<vmem>>, vector<2000x128xf32>
    tpu.vector_store %arg3[%swap3A, %swap3A_8], %max3A_7 {strides = array<i32>} : memref<2000x128xf32, #tpu.memory_space<vmem>>, vector<2000x128xf32>,
    %slice3A = vector.extract_strided_slice %get3A_1 {offsets = [0, 0], sizes = [1000, 64], strides = [1, 1]} : vector<2000x128xf32> to vector<1000x64xf32>
    %slice3A_10 = vector.extract_strided_slice %get3A_1 {offsets = [1000, 0], sizes = [1000, 64], strides = [1, 1]} : vector<2000x128xf32> to vector<1000x64xf32>
    %concatenate3A = tpu.concatenate %slice3A, %slice3A_10 in 1 : vector<1000x64xf32>, vector<1000x64xf32> -> vector<1000x128xf32>
    %swap3A_11 = arith.constant 0 : index
    %swap3A_12 = arith.constant 0 : index
    %swap3A_13 = arith.constant 0 : index
    %swap3A_14 = vector.load %arg4[%swap3A_11, %swap3A_12, %swap3A_13] : memref<2x1000x128xf32, #tpu.memory_space<vmem>>, vector<1x1000x128xf32>
    %swap3A_15 = vector.shape_cast %swap3A_14 : vector<1x1000x128xf32> to vector<1000x128xf32>
    %swap3A_16 = vector.shape_cast %concatenate3A : vector<1000x128xf32> to vector<1x1000x128xf32>
    tpu.vector_store %arg4[%swap3A_11, %swap3A_12, %swap3A_13], %swap3A_16 {strides = array<i32>} : memref<2x1000x128xf32, #tpu.memory_space<vmem>>, vector<1x1000x128xf32>,
    %slice3A_17 = vector.extract_strided_slice %get3A_1 {offsets = [0, 64], sizes = [1000, 64], strides = [1, 1]} : vector<2000x128xf32> to vector<1000x64xf32>
    %slice3A_18 = vector.extract_strided_slice %get3A_1 {offsets = [1000, 64], sizes = [1000, 64], strides = [1, 1]} : vector<2000x128xf32> to vector<1000x64xf32>
    %concatenate3A_19 = tpu.concatenate %slice3A_17, %slice3A_18 in 1 : vector<1000x64xf32>, vector<1000x64xf32> -> vector<1000x128xf32>
    %swap3A_20 = arith.constant 1 : index
    %swap3A_21 = arith.constant 0 : index
    %swap3A_22 = arith.constant 0 : index
    %swap3A_23 = vector.load %arg4[%swap3A_20, %swap3A_21, %swap3A_22] : memref<2x1000x128xf32, #tpu.memory_space<vmem>>, vector<1x1000x128xf32>
    %swap3A_24 = vector.shape_cast %swap3A_23 : vector<1x1000x128xf32> to vector<1000x128xf32>
    %swap3A_25 = vector.shape_cast %concatenate3A_19 : vector<1000x128xf32> to vector<1x1000x128xf32>
    tpu.vector_store %arg4[%swap3A_20, %swap3A_21, %swap3A_22], %swap3A_25 {strides = array<i32>} : memref<2x1000x128xf32, #tpu.memory_space<vmem>>, vector<1x1000x128xf32>,
    return
  }
  func.func @transform_0(%arg0: i32) -> (i32, i32) {
    %c0_i32 = arith.constant 0 : i32
    %c0_i32_0 = arith.constant 0 : i32
    return %arg0, %c0_i32 : i32, i32
  }
  func.func @transform_1(%arg0: i32) -> (i32, i32) {
    %c0_i32 = arith.constant 0 : i32
    %c0_i32_0 = arith.constant 0 : i32
    %c0_i32_1 = arith.constant 0 : i32
    return %c0_i32, %c0_i32_0 : i32, i32
  }
  func.func @transform_2(%arg0: i32) -> (i32, i32) {
    %c0_i32 = arith.constant 0 : i32
    %c0_i32_0 = arith.constant 0 : i32
    return %arg0, %c0_i32 : i32, i32
  }
  func.func @transform_3(%arg0: i32) -> (i32, i32, i32) {
    %c0_i32 = arith.constant 0 : i32
    %c0_i32_0 = arith.constant 0 : i32
    %c0_i32_1 = arith.constant 0 : i32
    return %c0_i32, %arg0, %c0_i32_0 : i32, i32, i32
  }
}

module attributes {stable_mosaic.version = 14 : i64} {
  func.func @_tc_epilogue_body(%arg0: i32, %arg1: memref<2000x128xf32, #tpu.memory_space<vmem>>, %arg2: memref<128x128xf32, #tpu.memory_space<vmem>>, %arg3: memref<2x1000x128xf32, #tpu.memory_space<vmem>>, %arg4: memref<2000x1xf32, #tpu.memory_space<vmem>>, %arg5: memref<2000x256xf32, #tpu.memory_space<vmem>>) attributes {dimension_semantics = [#tpu.dimension_semantics<arbitrary>], iteration_bounds = array<i64: 5>, scalar_prefetch = 0 : i64, scratch_operands = 0 : i64, tpu.core_type = #tpu.core_type<tc>, window_params = [{transform_indices = @transform_0, window_bounds = array<i64: 2000, 128>}, {pipeline_mode = #tpu.pipeline_mode<synchronous>, transform_indices = @transform_1, window_bounds = array<i64: 128, 128>}, {transform_indices = @transform_2, window_bounds = array<i64: 2, 1000, 128>}, {transform_indices = @transform_3, window_bounds = array<i64: 2000, 1>}, {transform_indices = @transform_4, window_bounds = array<i64: 2000, 256>}]} {
    %get3A = arith.constant 0 : index
    %get3A_0 = arith.constant 0 : index
    %get3A_1 = arith.constant 0 : index
    %get3A_2 = vector.load %arg3[%get3A, %get3A_0, %get3A_1] : memref<2x1000x128xf32, #tpu.memory_space<vmem>>, vector<2x1000x128xf32>
    %slice3A = vector.extract_strided_slice %get3A_2 {offsets = [0, 0, 0], sizes = [1, 1000, 64], strides = [1, 1, 1]} : vector<2x1000x128xf32> to vector<1x1000x64xf32>
    %squeeze3A = vector.shape_cast %slice3A : vector<1x1000x64xf32> to vector<1000x64xf32>
    %slice3A_3 = vector.extract_strided_slice %get3A_2 {offsets = [0, 0, 64], sizes = [1, 1000, 64], strides = [1, 1, 1]} : vector<2x1000x128xf32> to vector<1x1000x64xf32>
    %squeeze3A_4 = vector.shape_cast %slice3A_3 : vector<1x1000x64xf32> to vector<1000x64xf32>
    %concatenate3A = tpu.concatenate %squeeze3A, %squeeze3A_4 in 0 : vector<1000x64xf32>, vector<1000x64xf32> -> vector<2000x64xf32>
    %slice3A_5 = vector.extract_strided_slice %get3A_2 {offsets = [1, 0, 0], sizes = [1, 1000, 64], strides = [1, 1, 1]} : vector<2x1000x128xf32> to vector<1x1000x64xf32>
    %squeeze3A_6 = vector.shape_cast %slice3A_5 : vector<1x1000x64xf32> to vector<1000x64xf32>
    %slice3A_7 = vector.extract_strided_slice %get3A_2 {offsets = [1, 0, 64], sizes = [1, 1000, 64], strides = [1, 1, 1]} : vector<2x1000x128xf32> to vector<1x1000x64xf32>
    %squeeze3A_8 = vector.shape_cast %slice3A_7 : vector<1x1000x64xf32> to vector<1000x64xf32>
    %concatenate3A_9 = tpu.concatenate %squeeze3A_6, %squeeze3A_8 in 0 : vector<1000x64xf32>, vector<1000x64xf32> -> vector<2000x64xf32>
    %concatenate3A_10 = tpu.concatenate %concatenate3A, %concatenate3A_9 in 1 : vector<2000x64xf32>, vector<2000x64xf32> -> vector<2000x128xf32>
    %get3A_11 = arith.constant 0 : index
    %get3A_12 = arith.constant 0 : index
    %get3A_13 = vector.load %arg4[%get3A_11, %get3A_12] : memref<2000x1xf32, #tpu.memory_space<vmem>>, vector<2000x1xf32>
    %max3A = arith.constant 1.000000e+00 : f32
    %max3A_14 = vector.broadcast %max3A : f32 to vector<2000x1xf32>
    %max3A_15 = arith.maximumf %get3A_13, %max3A_14 : vector<2000x1xf32>
    %div3A = vector.broadcast %max3A_15 : vector<2000x1xf32> to vector<2000x128xf32>
    %div3A_16 = arith.divf %concatenate3A_10, %div3A : vector<2000x128xf32>
    %get3A_17 = arith.constant 0 : index
    %get3A_18 = arith.constant 0 : index
    %get3A_19 = vector.load %arg2[%get3A_17, %get3A_18] : memref<128x128xf32, #tpu.memory_space<vmem>>, vector<128x128xf32>
    %dot_general3A = arith.constant dense<0.000000e+00> : vector<2000x128xf32>
    %dot_general3A_20 = tpu.matmul %div3A_16, %get3A_19, %dot_general3A {dimension_numbers = #tpu.dot_dimension_numbers<[1], [0], [0], [1], [0, 0, 1, 1], [], []>, precision = #tpu.contract_precision<fp32>, transpose_lhs_hint = false} : vector<2000x128xf32>, vector<128x128xf32>, vector<2000x128xf32> -> vector<2000x128xf32>
    %get3A_21 = arith.constant 0 : index
    %get3A_22 = arith.constant 0 : index
    %get3A_23 = vector.load %arg1[%get3A_21, %get3A_22] : memref<2000x128xf32, #tpu.memory_space<vmem>>, vector<2000x128xf32>
    %max3A_24 = arith.constant 0.000000e+00 : f32
    %max3A_25 = vector.broadcast %max3A_24 : f32 to vector<2000x128xf32>
    %max3A_26 = arith.maximumf %dot_general3A_20, %max3A_25 : vector<2000x128xf32>
    %concatenate3A_27 = tpu.concatenate %get3A_23, %max3A_26 in 1 : vector<2000x128xf32>, vector<2000x128xf32> -> vector<2000x256xf32>
    %swap3A = arith.constant 0 : index
    %swap3A_28 = arith.constant 0 : index
    %swap3A_29 = vector.load %arg5[%swap3A, %swap3A_28] : memref<2000x256xf32, #tpu.memory_space<vmem>>, vector<2000x256xf32>
    tpu.vector_store %arg5[%swap3A, %swap3A_28], %concatenate3A_27 {strides = array<i32>} : memref<2000x256xf32, #tpu.memory_space<vmem>>, vector<2000x256xf32>,
    return
  }
  func.func @transform_0(%arg0: i32) -> (i32, i32) {
    %c0_i32 = arith.constant 0 : i32
    %c0_i32_0 = arith.constant 0 : i32
    return %arg0, %c0_i32 : i32, i32
  }
  func.func @transform_1(%arg0: i32) -> (i32, i32) {
    %c0_i32 = arith.constant 0 : i32
    %c0_i32_0 = arith.constant 0 : i32
    %c0_i32_1 = arith.constant 0 : i32
    return %c0_i32, %c0_i32_0 : i32, i32
  }
  func.func @transform_2(%arg0: i32) -> (i32, i32, i32) {
    %c0_i32 = arith.constant 0 : i32
    %c0_i32_0 = arith.constant 0 : i32
    %c0_i32_1 = arith.constant 0 : i32
    return %c0_i32, %arg0, %c0_i32_0 : i32, i32, i32
  }
  func.func @transform_3(%arg0: i32) -> (i32, i32) {
    %c0_i32 = arith.constant 0 : i32
    %c0_i32_0 = arith.constant 0 : i32
    return %arg0, %c0_i32 : i32, i32
  }
  func.func @transform_4(%arg0: i32) -> (i32, i32) {
    %c0_i32 = arith.constant 0 : i32
    %c0_i32_0 = arith.constant 0 : i32
    return %arg0, %c0_i32 : i32, i32
  }
}

</mosaic_0001>

<sc_bundles>
// kernel: gather_offload_async_start
scs
__scs_entry_jumppad:
0x0: {  	(pc) =	sbr.rel $0x88, $3  }
0x1: {  	(tag) =	ssettag $0x0;
	lr =	simm.s32 $0x1  }
0x2: {  	[smem:$0x3F9D] =	sst lr;
	_ =	strace $0xD0000000  }
0x3: {  	_ = 	snop  }
0x4: {  	_ = 	snop  }
0x5: {  	_ = 	snop  }
0x6: {  	_ = 	snop  }
0x7: {  	_ = 	snop  }
__scs_overlays_trampoline_lowered:
0x8: {  	[smem:$0x3FAC] =	sst s0  }
0x9: {  	[smem:$0x3FAD] =	sst s1  }
0xa: {  	[smem:$0x3FAE] =	sst s2  }
0xb: {  	[smem:$0x3FAF] =	sst s3  }
0xc: {  	[smem:$0x3FB0] =	sst s4  }
0xd: {  	[smem:$0x3FB1] =	sst s5  }
0xe: {  	[smem:$0x3FB2] =	sst s6  }
0xf: {  	[smem:$0x3FB3] =	sst s7  }
0x10: {  	[smem:$0x3FB4] =	sst s8  }
0x11: {  	[smem:$0x3FB5] =	sst s9;
	s0 =	simm.s32 @!p0 $0x0  }
0x12: {  	s1 =	sld [smem:$0x3F9B];
	s0 =	simm.s32 @p0 $0x1  }
0x13: {  	[smem:$0x3FB6] =	sst s0;
	s0 =	simm.s32 @!p1 $0x0  }
0x14: {  	s2 =	sld [smem:$0x3F9A];
	s0 =	simm.s32 @p1 $0x1  }
0x15: {  	[smem:$0x3FB7] =	sst s0;
	s0 =	simm.s32 @!p2 $0x0  }
0x16: {  	s3 =	sld [smem:$0x3FDB];
	s0 =	simm.s32 @p2 $0x1  }
0x17: {  	s4 =	simm.s32 $0x1BF5;
	[smem:$0x3FB9] =	sst s0  }
0x18: {  	s0 =	sld [smem:$0x3F9C];
	_ =	swait.ge [sflag:s4], $0x0  }
0x19: {  	s7 =	sld [smem:$0x3F9D]  }
0x1a: {  	s8 =	sadd.s32 $0xFFFFE003, lr  }
0x1b: {  	s9 =	sadd.s32 $0xFFFFFEF7, lr;
	s5 =	simm.s32 $0xFFFFFFFF;
	p2 =	slt.u32 s8, $0xFFFFF086  }
0x1c: {  	p1 =	slt.u32 s9, $0xF7A;
	s5 =	simm.s32 @!p2 $0x0  }
0x1d: {  	s5 =	simm.s32 @p1 $0x1;
	p0 =	seq.s32 s7, s2  }
0x1e: {  	s7 =	smul.u32 @!p0 $0xF7A, s2;
	p2 =	seq.s32 @!p0 s5, $0x0  }
0x1f: {  	s9 =	smul.u32 $0xF7A, s1;
	s8 =	simm.s32 @!p0 $0x1BF5;
	p2 =	por !p2, p0  }
0x20: {  	[sflag:s8] =	ssyncset.s32 @!p0 $0xFFFFF086;
	s6 =	sadd.s32 @!p0 s3, s7;
	s7 =	simm.s32 @!p0 $0x108  }
0x21: {  	s3 =	sadd.s32 s3, s9;
	s6 =	sadd.s32 @!p0 $0x88, s6;
	s7 =	simm.s32 @p2 $0x1082  }
0x22: {  	[simem:s7], [sflag:s8] =	dma.local @!p0 [hbm:s6], $0xF7A  }
0x23: {  	s9 =	sor.u32 $0xD0000000, s2;
	s6 =	simm.s32 $0x108;
	_ =	swait.ge @!p0 [sflag:s8], $0x0  }
0x24: {  	s3 =	sadd.s32 $0x88, s3;
	s6 =	simm.s32 @!p1 $0x1082;
	[sflag:s4] =	ssyncset.s32 $0xFFFFF086  }
0x25: {  	[simem:s6], [sflag:s4] =	dma.local [hbm:s3], $0xF7A  }
0x26: {  	[smem:$0x3F9D] =	sst s1;
	(tag) =	ssettag s2;
	_ =	strace s9  }
0x27: {  	s1 =	sld [smem:$0x3FAD]  }
0x28: {  	s2 =	sld [smem:$0x3FAE]  }
0x29: {  	s4 =	sld [smem:$0x3FB0]  }
0x2a: {  	p0 =	seq.s32 s5, $0x0;
	s5 =	sld [smem:$0x3FB1]  }
0x2b: {  	s6 =	sld [smem:$0x3FB2]  }
0x2c: {  	s7 =	sld [smem:$0x3FB3]  }
0x2d: {  	s3 =	simm.s32 $0x108;
	s8 =	sld [smem:$0x3FB4]  }
0x2e: {  	s3 =	simm.s32 @!p0 $0x1082;
	s9 =	sld [smem:$0x3FB5]  }
0x2f: {  	lr =	sadd.s32 s0, s3;
	s0 =	sld [smem:$0x3FAC]  }
0x30: {  	s3 =	sld [smem:$0x3FAF]  }
0x31: {  	[smem:$0x3FB8] =	sst s10  }
0x32: {  	s10 =	sld [smem:$0x3FB6];
	_ =	sdelay $0x3  }
0x33: {  	p0 =	seq.s32 s10, $0x1;
	s10 =	sld [smem:$0x3FB8];
	_ =	sdelay $0x3  }
0x34: {  	[smem:$0x3FB8] =	sst s10  }
0x35: {  	s10 =	sld [smem:$0x3FB7];
	_ =	sdelay $0x3  }
0x36: {  	p1 =	seq.s32 s10, $0x1;
	s10 =	sld [smem:$0x3FB8];
	_ =	sdelay $0x3  }
0x37: {  	[smem:$0x3FB8] =	sst s10  }
0x38: {  	s10 =	sld [smem:$0x3FB9]  }
0x39: {  	_ = 	snop;
	(pc) =	sbr.ind lr, $3  }
0x3a: {  	_ = 	snop  }
0x3b: {  	_ = 	snop  }
0x3c: {  	p2 =	seq.s32 s10, $0x1;
	s10 =	sld [smem:$0x3FB8]  }
0x3d: {  	_ =	shalt  }
0x3e: {  	_ =	shalt  }
0x3f: {  	_ =	shalt  }
0x40: {  	_ =	shalt  }
0x41: {  	_ =	shalt  }
0x42: {  	_ =	shalt  }
0x43: {  	_ =	shalt  }
0x44: {  	_ =	shalt  }
0x45: {  	_ =	shalt  }
0x46: {  	_ =	shalt  }
0x47: {  	_ =	shalt  }
0x48: {  	_ =	shalt  }
0x49: {  	_ =	shalt  }
0x4a: {  	_ =	shalt  }
0x4b: {  	_ =	shalt  }
0x4c: {  	_ =	shalt  }
0x4d: {  	_ =	shalt  }
0x4e: {  	_ =	shalt  }
0x4f: {  	_ =	shalt  }
0x50: {  	_ =	shalt  }
0x51: {  	_ =	shalt  }
0x52: {  	_ =	shalt  }
0x53: {  	_ =	shalt  }
0x54: {  	_ =	shalt  }
0x55: {  	_ =	shalt  }
0x56: {  	_ =	shalt  }
0x57: {  	_ =	shalt  }
0x58: {  	_ =	shalt  }
0x59: {  	_ =	shalt  }
0x5a: {  	_ =	shalt  }
0x5b: {  	_ =	shalt  }
0x5c: {  	_ =	shalt  }
0x5d: {  	_ =	shalt  }
0x5e: {  	_ =	shalt  }
0x5f: {  	_ =	shalt  }
0x60: {  	_ =	shalt  }
0x61: {  	_ =	shalt  }
0x62: {  	_ =	shalt  }
0x63: {  	_ =	shalt  }
0x64: {  	_ =	shalt  }
0x65: {  	_ =	shalt  }
0x66: {  	_ =	shalt  }
0x67: {  	_ =	shalt  }
0x68: {  	_ =	shalt  }
0x69: {  	_ =	shalt  }
0x6a: {  	_ =	shalt  }
0x6b: {  	_ =	shalt  }
0x6c: {  	_ =	shalt  }
0x6d: {  	_ =	shalt  }
0x6e: {  	_ =	shalt  }
0x6f: {  	_ =	shalt  }
0x70: {  	_ =	shalt  }
0x71: {  	_ =	shalt  }
0x72: {  	_ =	shalt  }
0x73: {  	_ =	shalt  }
0x74: {  	_ =	shalt  }
0x75: {  	_ =	shalt  }
0x76: {  	_ =	shalt  }
0x77: {  	_ =	shalt  }
0x78: {  	_ =	shalt  }
0x79: {  	_ =	shalt  }
0x7a: {  	_ =	shalt  }
0x7b: {  	_ =	shalt  }
0x7c: {  	_ =	shalt  }
0x7d: {  	_ =	shalt  }
0x7e: {  	_ =	shalt  }
0x7f: {  	_ =	shalt  }
0x80: {  	_ =	shalt  }
0x81: {  	_ =	shalt  }
0x82: {  	_ =	shalt  }
0x83: {  	_ =	shalt  }
0x84: {  	_ =	shalt  }
0x85: {  	_ =	shalt  }
0x86: {  	_ =	shalt  }
0x87: {  	_ =	shalt  }
.Lfunc_end0:
.L_simem_size_0:
called_computation_lowered:
.L_overlay_start_0:
0x88: {  	s0 =	sld [smem:$0x3FD9]  }
0x89: {  	s1 =	sld [smem:$0x3FFE];
	_ =	sdelay $0x3  }
0x8a: {  	s0 =	sadd.s32 s1, s0  }
0x8b: {  	[smem:$0x3FC4] =	sst s0  }
0x8c: {  	_ = 	snop  }
0x8d: {  	s0 =	sld [smem:$0x3FD0];
	(tm) =	ssettm $0x1  }
0x8e: {  	s16 =	sld [smem:$0x3FFB];
	_ =	sdelay $0x3  }
0x8f: {  	_ =	strace s16  }
0x90: {  	s1 =	sld [smem:$0x3FFC];
	_ =	sdelay $0x3  }
0x91: {  	_ =	strace s1  }
0x92: {  	s1 =	sld [smem:$0x3FFD];
	_ =	sdelay $0x3  }
0x93: {  	_ =	strace s1  }
0x94: {  	_ =	strace $0x8FFFFFFF  }
0x95: {  	s17 =	sld [smem:$0x3FDB];
	_ =	sdelay $0x1  }
0x96: {  	s2 =	simm.s32 $_scs_section_size  }
0x97: {  	s3 =	simm.s32 $_size__tile_overlayer_lowered;
	s4 =	simm.s32 $_tile_overlayer_lowered  }
0x98: {  	s20 =	simm.s32 $0x1BFF;
	s19 =	sshll.u32 s4, $0x1;
	s1 =	sadd.s32 s2, s17  }
0x99: {  	s5 =	simm.s32 $0x0;
	s18 =	sshll.u32 s3, $0x1;
	s3 =	sadd.s32 s19, s1  }
0x9a: {  	[timem:s5], [sflag:s20] =	dma.local [hbm:s3], s18  }
0x9b: {  	_ =	swait.ge [sflag:s20], s18  }
0x9c: {  	s2 =	ssub.s32 $0x0, s18;
	[sflag:s20] =	ssyncset.done $0x0  }
0x9d: {  	[sflag:s20] =	ssyncadd.s32 s2;
	_ =	sdelay $0x1  }
0x9e: {  	s21 =	simm.s32 $0x1B8B  }
0x9f: {  	_ =	swait.ge [sflag:s21], $0x1  }
0xa0: {  	[sflag:s21] =	ssyncset.done $0x0  }
0xa1: {  	s23 =	simm.s32 $0x1B8E;
	s22 =	sld [smem:$0x3FFE];
	[sflag:s21] =	ssyncadd.s32 $0xFFFFFFFF  }
0xa2: {  	s24 =	simm.s32 $execute0_lowered;
	[smem:$0x3FD2] =	sst s23  }
0xa3: {  	s3 =	sshll.u32 s24, $0x1;
	_ =	strace $0x80000049;
	[dreg:$0x1] =	wrdreg $0xFFFFFFFF  }
0xa4: {  	s25 =	simm.s32 $_size_execute0_lowered;
	s1 =	sadd.s32 s1, s3;
	[dreg:$0x0] =	wrdreg $0x0  }
0xa5: {  	s3 =	sshll.u32 s25, $0x1;
	[dreg:$0x2] =	wrdreg s1  }
0xa6: {  	[dreg:$0x3] =	wrdreg s3  }
0xa7: {  	[dreg:$0x4] =	wrdreg $0xC0  }
0xa8: {  	_ =	task [dreg:s5], $0x5FFFF  }
0xa9: {  	[dreg:$0x1] =	wrdreg $0xFFFFFFFF  }
0xaa: {  	[dreg:$0x0] =	wrdreg $0x60  }
0xab: {  	[dreg:$0x2] =	wrdreg s0  }
0xac: {  	[dreg:$0x3] =	wrdreg s22  }
0xad: {  	[dreg:$0x4] =	wrdreg $0x9  }
0xae: {  	_ =	task.clear_ibuf [dreg:s5], $0x5FFFF;
	_ =	strace $0x90000049  }
0xaf: {  	s26 =	simm.s32 $0x9;
	_ =	strace $0x8000004B  }
0xb0: {  	_ =	swait.ge [sflag:s26], $0x1  }
0xb1: {  	[sflag:s26] =	ssyncadd.s32 $0xFFFFFFFF  }
0xb2: {  	_ =	strace $0x9000004B  }
0xb3: {  	_ =	sfence  }
0xb4: {  	s28 =	sld [smem:$0x0];
	_ =	sdelay $0x1  }
0xb5: {  	s29 =	srdreg.scid  }
0xb6: {  	s30 =	sshll.u32 s29, $0xD;
	s31 =	sshrl.u32 s29, $0x2  }
0xb7: {  	s2 =	sand.u32 $0x4000, s30;
	s1 =	sand.u32 $0x1, s29;
	s0 =	sadd.s32 s31, s28  }
0xb8: {  	s1 =	sor.u32 s2, s1;
	s0 =	sshll.u32 s0, $0x11  }
0xb9: {  	s0 =	sor.u32 s0, s1  }
0xba: {  	s0 =	sadd.s32 $0x8F2B, s0  }
0xbb: {  	[sflag:s0] =	ssyncadd.remote.s32 $0x1  }
0xbc: {  	_ =	sfence.sel $0xFFFF  }
0xbd: {  	[dreg:$0x0] =	wrdreg $0xFFFFFFFF;
	(pc) =	sbr.abs _section_cstart, $3  }
0xbe: {  	[dreg:$0x1] =	wrdreg $0xFFFFFFFF  }
0xbf: {  	_ =	task.clear_ibuf [dreg:s5], $0x2FFFF;
	_ =	strace $0x9FFFFFFF  }
0xc0: {  	(tm) =	ssettm $0x7FFFFFFF  }
0xc1: {  	_ =	shalt  }
tec
execute0_lowered:
.L_overlay_start_1:
0x0: {  	(tag) =	ssettag $0x1  }
0x1: {  	s2 =	rddreg [dreg:$0x0]  }
0x2: {  	s8 =	rddreg [dreg:$0x1]  }
0x3: {  	s0 =	rddreg [dreg:$0x2]  }
0x4: {  	_ =	strace $0x8000004A;
	s4 =	simm.s32 $0x1;
	s1 =	stileid.u32  }
0x5: {  	s7 =	simm.s32 $0x1;
	s9 =	simm.s32 $0x1;
	s6 =	simm.s32 $0x2  }
0x6: {  	s10 =	simm.s32 $0x3;
	s13 =	simm.s32 $0x0;
	s12 =	simm.s32 $0x0  }
.Ltmp0:
0x7: {  	s3 =	sadd.s32 $0x47A00, s8;
	p0 =	slt.u32 s1, $0xA;
	(pc) =	sbr.rel .LBB2_1-.Ltmp0, $4  }
0x8: {  	[sflag:s4] =	ssyncpa.u1 $0x0;
	s7 =	simm.s32 @!p0 $0x0;
	p0 =	sne.s32 s1, $0x9  }
0x9: {  	s5 =	smul.u32 $0x190, s1;
	[sflag:s6] =	ssyncpa.u1 $0x0;
	s9 =	simm.s32 @!p0 $0x0  }
0xa: {  	s8 =	sadd.s32 $0xE00, s8;
	[sflag:s10] =	ssyncpa.u1 $0x0;
	s7 =	sadd.s32 s9, s7  }
0xb: {  	vm0 =	vmmov $0xffff;
	s10 =	simm.s32 $0x0;
	s11 =	smov.u32 s5;
	s9 =	sadd.s32 $0x1, s7  }
.LBB2_4:
0xc: {  	v2 =	vnsel vm1, $0x0, v2  }
0xd: {  	vm1 =	vgt.s32 v0, $0x0;
	v2 =	vmin.u32 v2, $0x270F  }
0xe: {  	v0 =	vnsel vm1, $0x0, v0  }
0xf: {  	v0 =	vmin.u32 v0, $0x270F  }
0x10: {  	[tilespmem:s18], [sflag:$0x1] =	stream.indirect_vreg.gather [hbm4b:s2+s10], $0x1, v1, vm0, $0x4038;
	[tilespmem:$0x640] =	vst v63  }
0x11: {  	(ifvalue) =	ssetifvalue $0x7FFFFFFF  }
0x12: {  	[tilespmem:s15], [sflag:$0x1] =	stream.indirect_vreg.gather [hbm4b:s2+s10], $0x1, v2, vm0, $0x4038;
	[tilespmem:$0x640] =	vst v63  }
0x13: {  	s29 =	sadd.s32 $0x10, s15;
	(ifvalue) =	ssetifvalue $0x7FFFFFFF  }
0x14: {  	[tilespmem:s29], [sflag:$0x1] =	stream.indirect_vreg.gather [hbm4b:s2+s10], $0x1, v0, vm0, $0x4038;
	[tilespmem:$0x640] =	vst v63  }
0x15: {  	_ =	swait.ge [sflag:s4], $0x190  }
0x16: {  	s30 =	sshrl.u32 s13, $0x3;
	[sflag:s4] =	ssyncset.done $0x0  }
0x17: {  	s31 =	sand.u32 $0x7, s13;
	s15 =	sadd.s32 s8, s30;
	[sflag:s4] =	ssyncadd.s32 $0xFFFFFE70  }
0x18: {  	[hbm4b:s15+s31] =	stream.linear.scatter [tilespmem:s14], [sflag:$0x3], $0x190, $0x38;
	[tilespmem:$0x640] =	vst v63  }
.LBB2_5:
0x19: {  	s15 =	sadd.s32 $0x1900, s11  }
0x1a: {  	p1 =	sgt.s32 s15, $0x270F  }
0x1b: {  	s15 =	smov.u32 @p1 s5;
	p1 =	sne.s32 s12, s9  }
.Ltmp1:
0x1c: {  	p0 =	slt.u32 s12, $0x2;
	(pc) =	sbr.rel @!p1 .LBB2_6-.Ltmp1, $4  }
0x1d: {  	s14 =	simm.s32 @!p0 $0x3  }
0x1e: {  	_ =	swait.ge @!p0 [sflag:s14], $0x190  }
0x1f: {  	s16 =	sadd.s32 $0x1, s12;
	s13 =	smov.u32 s11;
	[sflag:s14] =	ssyncset.done @!p0 $0x0  }
0x20: {  	s12 =	smov.u32 s16;
	s11 =	smov.u32 s15;
	[sflag:s14] =	ssyncadd.s32 @!p0 $0xFFFFFE70  }
.LBB2_1:
0x21: {  	p0 =	sge.u32 s12, s7  }
0x22: {  	s14 =	sxor.u32 @!p0 $0x1, s12  }
0x23: {  	s14 =	smul.u32 @!p0 $0x640, s14  }
0x24: {  	s31 =	sadd.s32 $0xFFFFFFFF, s12;
	s15 =	sshrl.u32 @!p0 s11, $0x3  }
0x25: {  	s16 =	sand.u32 @!p0 $0x7, s11;
	s15 =	sadd.s32 @!p0 s3, s15;
	s14 =	sshra.s32 @!p0 s14, $0x2  }
0x26: {  	[tilespmem:s14], [sflag:$0x2] =	stream.linear.gather @!p0 [hbm4b:s15+s16], $0x190, $0x38;
	[tilespmem:$0x640] =	vst v63  }
0x27: {  	p0 =	sge.u32 s31, s7  }
.Ltmp2:
0x28: {  	_ = 	snop;
	(pc) =	sbr.rel @p0 .LBB2_5-.Ltmp2, $1  }
0x29: {  	_ =	sdelay $0x3  }
0x2a: {  	s14 =	sand.u32 $0x1, s12  }
0x2b: {  	_ =	swait.ge [sflag:s6], $0x190;
	p0 =	seq.s32 s14, $0x1;
	s14 =	simm.s32 $0x190  }
0x2c: {  	[sflag:s6] =	ssyncset.done $0x0;
	s14 =	simm.s32 @!p0 $0x0  }
0x2d: {  	[sflag:s6] =	ssyncadd.s32 $0xFFFFFE70;
	(ifvalue) =	ssetifvalue $0x7FFFFFFF;
	v0 =	vld.msk [tilespmem:s14+$0x0 ss:$0x1], $0xffff;
	_ =	sdelay $0x4  }
0x2e: {  	s15 =	sadd.s32 $0x10, s14;
	vm1 =	vgt.s32 v0, $0x0  }
0x2f: {  	v2 =	vld.msk [tilespmem:s15+$0x0 ss:$0x1], $0xffff;
	v1 =	vnsel vm1, $0x0, v0  }
0x30: {  	v1 =	vmin.u32 v1, $0x270F;
	_ =	sdelay $0x2  }
0x31: {  	s17 =	simm.s32 $0x20;
	s14 =	sadd.s32 $0x320, s14;
	s16 =	sadd.s32 $0x10, s15  }
0x32: {  	s15 =	sadd.s32 $0x10, s14;
	s18 =	smov.u32 s14;
	v0 =	vld.msk [tilespmem:s16+$0x0 ss:$0x1], $0xffff;
	vm1 =	vgt.s32 v2, $0x0;
	(ifvalue) =	ssetifvalue $0x7FFFFFFF  }
.LBB2_3:
0x33: {  	[tilespmem:s18], [sflag:$0x1] =	stream.indirect_vreg.gather [hbm4b:s2+s10], $0x1, v1, vm0, $0x4038;
	[tilespmem:$0x640] =	vst v63  }
0x34: {  	s17 =	sadd.s32 $0x10, s17  }
0x35: {  	v2 =	vnsel vm1, $0x0, v2;
	p0 =	slt.u32 s17, $0x180  }
.Ltmp3:
0x36: {  	s18 =	smov.u32 s15;
	v1 =	vmin.u32 v2, $0x270F;
	(pc) =	sbr.rel @p0 .LBB2_3-.Ltmp3, $3  }
0x37: {  	_ =	sdelay $0x1  }
0x38: {  	s16 =	sadd.s32 $0x10, s16  }
0x39: {  	vm1 =	vgt.s32 v0, $0x0;
	s15 =	sadd.s32 $0x10, s15;
	v2 =	vmov v0;
	(ifvalue) =	ssetifvalue $0x7FFFFFFF;
	v0 =	vld.msk [tilespmem:s16+$0x0 ss:$0x1], $0xffff  }
.Ltmp4:
0x3a: {  	_ = 	snop;
	(pc) =	sbr.rel .LBB2_4-.Ltmp4, $1  }
0x3b: {  	_ =	sdelay $0x3  }
.LBB2_6:
0x3c: {  	_ =	sfence.sel $0x180000  }
0x3d: {  	s2 =	simm.s32 $0x2;
	[bflag:$0x0] =	sbarrier.arrive $0xFFFF  }
0x3e: {  	s30 =	simm.s32 $0x3;
	[sflag:s2] =	ssyncpa.u1 $0x1  }
0x3f: {  	s31 =	simm.s32 $0x1;
	[sflag:s30] =	ssyncpa.u1 $0x1  }
0x40: {  	[sflag:s31] =	ssyncpa.u1 $0x1  }
0x41: {  	p0 =	sne.s32 s1, $0x0;
	_ =	strace $0x9000004A  }
0x42: {  	s0 =	sadd.s32 @!p0 $0x100000, s0;
	[bflag:$0x2] =	sbarrier.arrive $0xFFFF  }
0x43: {  	[sflag:s0] =	ssyncadd.tile.s32 @!p0 $0x1;
	_ =	shalt  }
.Lfunc_end2:
_tile_overlayer_lowered:
.L_overlay_start_2:
0x44: {  	(tag) =	ssettag $0x2  }
0x45: {  	s0 =	rddreg [dreg:$0x0];
	s2 =	stileid.u32  }
0x46: {  	s1 =	rddreg [dreg:$0x1];
	p0 =	sne.s32 s2, $0x0  }
0x47: {  	s3 =	rddreg [dreg:$0x2];
	[bflag:$0x3] =	sbarrier.arrive $0xFFFF;
	s2 =	simm.s32 @!p0 $0x1C01  }
0x48: {  	[timem:s3], [sflag:s2] =	dma.local @!p0 [hbm:s0], s1  }
0x49: {  	s0 =	simm.s32 @!p0 $0x1  }
0x4a: {  	_ =	swait.ge @!p0 [sflag:s0], s1  }
0x4b: {  	s1 =	ssub.s32 @!p0 $0x0, s1;
	[sflag:s0] =	ssyncset.done @!p0 $0x0  }
0x4c: {  	[sflag:s0] =	ssyncadd.s32 @!p0 s1  }
0x4d: {  	[bflag:$0x3] =	sbarrier.arrive $0xFFFF  }
0x4e: {  	_ =	shalt  }

// kernel: kernel.5.cloned.1.call-start
scs
__scs_entry_jumppad:
0x0: {  	(pc) =	sbr.rel $0x88, $3  }
0x1: {  	(tag) =	ssettag $0x0;
	lr =	simm.s32 $0x1  }
0x2: {  	[smem:$0x3F9D] =	sst lr;
	_ =	strace $0xD0000000  }
0x3: {  	_ = 	snop  }
0x4: {  	_ = 	snop  }
0x5: {  	_ = 	snop  }
0x6: {  	_ = 	snop  }
0x7: {  	_ = 	snop  }
__scs_overlays_trampoline_lowered:
0x8: {  	[smem:$0x3FAC] =	sst s0  }
0x9: {  	[smem:$0x3FAD] =	sst s1  }
0xa: {  	[smem:$0x3FAE] =	sst s2  }
0xb: {  	[smem:$0x3FAF] =	sst s3  }
0xc: {  	[smem:$0x3FB0] =	sst s4  }
0xd: {  	[smem:$0x3FB1] =	sst s5  }
0xe: {  	[smem:$0x3FB2] =	sst s6  }
0xf: {  	[smem:$0x3FB3] =	sst s7  }
0x10: {  	[smem:$0x3FB4] =	sst s8  }
0x11: {  	[smem:$0x3FB5] =	sst s9;
	s0 =	simm.s32 @!p0 $0x0  }
0x12: {  	s1 =	sld [smem:$0x3F9B];
	s0 =	simm.s32 @p0 $0x1  }
0x13: {  	[smem:$0x3FB6] =	sst s0;
	s0 =	simm.s32 @!p1 $0x0  }
0x14: {  	s2 =	sld [smem:$0x3F9A];
	s0 =	simm.s32 @p1 $0x1  }
0x15: {  	[smem:$0x3FB7] =	sst s0;
	s0 =	simm.s32 @!p2 $0x0  }
0x16: {  	s3 =	sld [smem:$0x3FDB];
	s0 =	simm.s32 @p2 $0x1  }
0x17: {  	s4 =	simm.s32 $0x1BF5;
	[smem:$0x3FB9] =	sst s0  }
0x18: {  	s0 =	sld [smem:$0x3F9C];
	_ =	swait.ge [sflag:s4], $0x0  }
0x19: {  	s7 =	sld [smem:$0x3F9D]  }
0x1a: {  	s8 =	sadd.s32 $0xFFFFE003, lr  }
0x1b: {  	s9 =	sadd.s32 $0xFFFFFEF7, lr;
	s5 =	simm.s32 $0xFFFFFFFF;
	p2 =	slt.u32 s8, $0xFFFFF086  }
0x1c: {  	p1 =	slt.u32 s9, $0xF7A;
	s5 =	simm.s32 @!p2 $0x0  }
0x1d: {  	s5 =	simm.s32 @p1 $0x1;
	p0 =	seq.s32 s7, s2  }
0x1e: {  	s7 =	smul.u32 @!p0 $0xF7A, s2;
	p2 =	seq.s32 @!p0 s5, $0x0  }
0x1f: {  	s9 =	smul.u32 $0xF7A, s1;
	s8 =	simm.s32 @!p0 $0x1BF5;
	p2 =	por !p2, p0  }
0x20: {  	[sflag:s8] =	ssyncset.s32 @!p0 $0xFFFFF086;
	s6 =	sadd.s32 @!p0 s3, s7;
	s7 =	simm.s32 @!p0 $0x108  }
0x21: {  	s3 =	sadd.s32 s3, s9;
	s6 =	sadd.s32 @!p0 $0x88, s6;
	s7 =	simm.s32 @p2 $0x1082  }
0x22: {  	[simem:s7], [sflag:s8] =	dma.local @!p0 [hbm:s6], $0xF7A  }
0x23: {  	s9 =	sor.u32 $0xD0000000, s2;
	s6 =	simm.s32 $0x108;
	_ =	swait.ge @!p0 [sflag:s8], $0x0  }
0x24: {  	s3 =	sadd.s32 $0x88, s3;
	s6 =	simm.s32 @!p1 $0x1082;
	[sflag:s4] =	ssyncset.s32 $0xFFFFF086  }
0x25: {  	[simem:s6], [sflag:s4] =	dma.local [hbm:s3], $0xF7A  }
0x26: {  	[smem:$0x3F9D] =	sst s1;
	(tag) =	ssettag s2;
	_ =	strace s9  }
0x27: {  	s1 =	sld [smem:$0x3FAD]  }
0x28: {  	s2 =	sld [smem:$0x3FAE]  }
0x29: {  	s4 =	sld [smem:$0x3FB0]  }
0x2a: {  	p0 =	seq.s32 s5, $0x0;
	s5 =	sld [smem:$0x3FB1]  }
0x2b: {  	s6 =	sld [smem:$0x3FB2]  }
0x2c: {  	s7 =	sld [smem:$0x3FB3]  }
0x2d: {  	s3 =	simm.s32 $0x108;
	s8 =	sld [smem:$0x3FB4]  }
0x2e: {  	s3 =	simm.s32 @!p0 $0x1082;
	s9 =	sld [smem:$0x3FB5]  }
0x2f: {  	lr =	sadd.s32 s0, s3;
	s0 =	sld [smem:$0x3FAC]  }
0x30: {  	s3 =	sld [smem:$0x3FAF]  }
0x31: {  	[smem:$0x3FB8] =	sst s10  }
0x32: {  	s10 =	sld [smem:$0x3FB6];
	_ =	sdelay $0x3  }
0x33: {  	p0 =	seq.s32 s10, $0x1;
	s10 =	sld [smem:$0x3FB8];
	_ =	sdelay $0x3  }
0x34: {  	[smem:$0x3FB8] =	sst s10  }
0x35: {  	s10 =	sld [smem:$0x3FB7];
	_ =	sdelay $0x3  }
0x36: {  	p1 =	seq.s32 s10, $0x1;
	s10 =	sld [smem:$0x3FB8];
	_ =	sdelay $0x3  }
0x37: {  	[smem:$0x3FB8] =	sst s10  }
0x38: {  	s10 =	sld [smem:$0x3FB9]  }
0x39: {  	_ = 	snop;
	(pc) =	sbr.ind lr, $3  }
0x3a: {  	_ = 	snop  }
0x3b: {  	_ = 	snop  }
0x3c: {  	p2 =	seq.s32 s10, $0x1;
	s10 =	sld [smem:$0x3FB8]  }
0x3d: {  	_ =	shalt  }
0x3e: {  	_ =	shalt  }
0x3f: {  	_ =	shalt  }
0x40: {  	_ =	shalt  }
0x41: {  	_ =	shalt  }
0x42: {  	_ =	shalt  }
0x43: {  	_ =	shalt  }
0x44: {  	_ =	shalt  }
0x45: {  	_ =	shalt  }
0x46: {  	_ =	shalt  }
0x47: {  	_ =	shalt  }
0x48: {  	_ =	shalt  }
0x49: {  	_ =	shalt  }
0x4a: {  	_ =	shalt  }
0x4b: {  	_ =	shalt  }
0x4c: {  	_ =	shalt  }
0x4d: {  	_ =	shalt  }
0x4e: {  	_ =	shalt  }
0x4f: {  	_ =	shalt  }
0x50: {  	_ =	shalt  }
0x51: {  	_ =	shalt  }
0x52: {  	_ =	shalt  }
0x53: {  	_ =	shalt  }
0x54: {  	_ =	shalt  }
0x55: {  	_ =	shalt  }
0x56: {  	_ =	shalt  }
0x57: {  	_ =	shalt  }
0x58: {  	_ =	shalt  }
0x59: {  	_ =	shalt  }
0x5a: {  	_ =	shalt  }
0x5b: {  	_ =	shalt  }
0x5c: {  	_ =	shalt  }
0x5d: {  	_ =	shalt  }
0x5e: {  	_ =	shalt  }
0x5f: {  	_ =	shalt  }
0x60: {  	_ =	shalt  }
0x61: {  	_ =	shalt  }
0x62: {  	_ =	shalt  }
0x63: {  	_ =	shalt  }
0x64: {  	_ =	shalt  }
0x65: {  	_ =	shalt  }
0x66: {  	_ =	shalt  }
0x67: {  	_ =	shalt  }
0x68: {  	_ =	shalt  }
0x69: {  	_ =	shalt  }
0x6a: {  	_ =	shalt  }
0x6b: {  	_ =	shalt  }
0x6c: {  	_ =	shalt  }
0x6d: {  	_ =	shalt  }
0x6e: {  	_ =	shalt  }
0x6f: {  	_ =	shalt  }
0x70: {  	_ =	shalt  }
0x71: {  	_ =	shalt  }
0x72: {  	_ =	shalt  }
0x73: {  	_ =	shalt  }
0x74: {  	_ =	shalt  }
0x75: {  	_ =	shalt  }
0x76: {  	_ =	shalt  }
0x77: {  	_ =	shalt  }
0x78: {  	_ =	shalt  }
0x79: {  	_ =	shalt  }
0x7a: {  	_ =	shalt  }
0x7b: {  	_ =	shalt  }
0x7c: {  	_ =	shalt  }
0x7d: {  	_ =	shalt  }
0x7e: {  	_ =	shalt  }
0x7f: {  	_ =	shalt  }
0x80: {  	_ =	shalt  }
0x81: {  	_ =	shalt  }
0x82: {  	_ =	shalt  }
0x83: {  	_ =	shalt  }
0x84: {  	_ =	shalt  }
0x85: {  	_ =	shalt  }
0x86: {  	_ =	shalt  }
0x87: {  	_ =	shalt  }
.Lfunc_end0:
.L_simem_size_0:
called_computation.1_lowered:
.L_overlay_start_0:
0x88: {  	s2 =	sld [smem:$0x3FD9]  }
0x89: {  	s3 =	sld [smem:$0x3FFE];
	_ =	sdelay $0x1  }
0x8a: {  	s1 =	srdreg.scid  }
0x8b: {  	s0 =	sand.u32 $0x1, s1  }
0x8c: {  	s17 =	sshll.u32 s0, $0xA;
	s2 =	sadd.s32 s3, s2  }
0x8d: {  	s2 =	sadd.s32 s2, s17  }
0x8e: {  	[smem:$0x3FC4] =	sst s2  }
0x8f: {  	_ = 	snop  }
0x90: {  	s2 =	sld [smem:$0x3FD0];
	(tm) =	ssettm $0x1  }
0x91: {  	s18 =	sld [smem:$0x3FFB];
	_ =	sdelay $0x3  }
0x92: {  	_ =	strace s18  }
0x93: {  	s3 =	sld [smem:$0x3FFC];
	_ =	sdelay $0x3  }
0x94: {  	_ =	strace s3  }
0x95: {  	s3 =	sld [smem:$0x3FFD];
	_ =	sdelay $0x3  }
0x96: {  	_ =	strace s3  }
0x97: {  	_ =	strace $0x8FFFFFFF  }
0x98: {  	s19 =	sld [smem:$0x3FDB];
	_ =	sdelay $0x1  }
0x99: {  	s4 =	simm.s32 $_scs_section_size  }
0x9a: {  	s5 =	simm.s32 $_size__tile_overlayer_lowered;
	s6 =	simm.s32 $_tile_overlayer_lowered  }
0x9b: {  	s22 =	simm.s32 $0x1BFF;
	s21 =	sshll.u32 s6, $0x1;
	s3 =	sadd.s32 s4, s19  }
0x9c: {  	s7 =	simm.s32 $0x0;
	s20 =	sshll.u32 s5, $0x1;
	s5 =	sadd.s32 s21, s3  }
0x9d: {  	[timem:s7], [sflag:s22] =	dma.local [hbm:s5], s20  }
0x9e: {  	_ =	swait.ge [sflag:s22], s20  }
0x9f: {  	s4 =	ssub.s32 $0x0, s20;
	[sflag:s22] =	ssyncset.done $0x0  }
0xa0: {  	[sflag:s22] =	ssyncadd.s32 s4;
	_ =	sdelay $0x1  }
0xa1: {  	s23 =	simm.s32 $0x1B8B  }
0xa2: {  	_ =	swait.ge [sflag:s23], $0x1  }
0xa3: {  	[sflag:s23] =	ssyncset.done $0x0  }
0xa4: {  	s25 =	simm.s32 $0x1B8E;
	s24 =	sld [smem:$0x3FFE];
	[sflag:s23] =	ssyncadd.s32 $0xFFFFFFFF  }
0xa5: {  	s26 =	simm.s32 $execute0_lowered;
	[smem:$0x3FD2] =	sst s25  }
0xa6: {  	s5 =	sshll.u32 s26, $0x1;
	_ =	strace $0x80000046;
	[dreg:$0x1] =	wrdreg $0xFFFFFFFF  }
0xa7: {  	s28 =	simm.s32 $_size_execute0_lowered;
	s3 =	sadd.s32 s3, s5;
	[dreg:$0x0] =	wrdreg $0x0  }
0xa8: {  	s5 =	sshll.u32 s28, $0x1;
	[dreg:$0x2] =	wrdreg s3  }
0xa9: {  	[dreg:$0x3] =	wrdreg s5  }
0xaa: {  	[dreg:$0x4] =	wrdreg $0xC0  }
0xab: {  	_ =	task [dreg:s7], $0x5FFFF  }
0xac: {  	[dreg:$0x1] =	wrdreg $0xFFFFFFFF  }
0xad: {  	[dreg:$0x0] =	wrdreg $0x60  }
0xae: {  	[dreg:$0x2] =	wrdreg s2  }
0xaf: {  	[dreg:$0x3] =	wrdreg s24  }
0xb0: {  	[dreg:$0x4] =	wrdreg $0x124D00  }
0xb1: {  	[dreg:$0x5] =	wrdreg $0x1C1500  }
0xb2: {  	[dreg:$0x6] =	wrdreg $0x9  }
0xb3: {  	_ =	task.clear_ibuf [dreg:s7], $0x7FFFF;
	_ =	strace $0x90000046  }
0xb4: {  	s29 =	simm.s32 $0x9;
	_ =	strace $0x80000048  }
0xb5: {  	_ =	swait.ge [sflag:s29], $0x1  }
0xb6: {  	[sflag:s29] =	ssyncadd.s32 $0xFFFFFFFF  }
0xb7: {  	_ =	strace $0x90000048  }
0xb8: {  	_ =	sfence  }
0xb9: {  	s30 =	sld [smem:$0x0];
	_ =	sdelay $0x2  }
0xba: {  	s31 =	sshll.u32 s1, $0xD;
	s1 =	sshrl.u32 s1, $0x2  }
0xbb: {  	s3 =	sand.u32 $0x4000, s31;
	s1 =	sadd.s32 s1, s30  }
0xbc: {  	s0 =	sor.u32 s3, s0;
	s1 =	sshll.u32 s1, $0x11  }
0xbd: {  	s0 =	sor.u32 s1, s0  }
0xbe: {  	s0 =	sadd.s32 $0x8F2B, s0  }
0xbf: {  	[sflag:s0] =	ssyncadd.remote.s32 $0x1  }
0xc0: {  	_ =	sfence.sel $0xFFFF  }
0xc1: {  	[dreg:$0x0] =	wrdreg $0xFFFFFFFF;
	(pc) =	sbr.abs _section_cstart, $3  }
0xc2: {  	[dreg:$0x1] =	wrdreg $0xFFFFFFFF  }
0xc3: {  	_ =	task.clear_ibuf [dreg:s7], $0x2FFFF;
	_ =	strace $0x9FFFFFFF  }
0xc4: {  	(tm) =	ssettm $0x7FFFFFFF  }
0xc5: {  	_ =	shalt  }
tec
execute0_lowered:
.L_overlay_start_1:
0x0: {  	(tag) =	ssettag $0x1  }
0x1: {  	s0 =	rddreg [dreg:$0x0]  }
0x2: {  	s1 =	rddreg [dreg:$0x1]  }
0x3: {  	s2 =	rddreg [dreg:$0x2]  }
0x4: {  	s3 =	rddreg [dreg:$0x3]  }
0x5: {  	s4 =	srdreg.scid;
	s13 =	stileid.u32;
	s16 =	simm.s32 $0x5  }
0x6: {  	s28 =	simm.s32 $0xFDC0;
	s29 =	simm.s32 $0x1;
	s30 =	simm.s32 $0x2  }
0x7: {  	s31 =	simm.s32 $0x3;
	s5 =	sand.u32 $0x1, s4;
	s6 =	smul.u32 $0xA00, s13  }
0x8: {  	s4 =	simm.s32 $0x0;
	s9 =	sadd.s32 $0x15600, s1;
	s10 =	smul.u32 $0x27100, s13  }
0x9: {  	s17 =	sadd.s32 $0x15000, s1;
	s18 =	sadd.s32 $0x14E00, s1;
	s11 =	smul.u32 $0x9C40, s13  }
0xa: {  	s23 =	sshll.u32 s13, $0x6;
	s7 =	sshll.u32 s5, $0x4;
	[smem:$0x7FF] =	sst s4  }
0xb: {  	s19 =	ssub.s32 $0x2, s5;
	s25 =	smul.u32 $0x13880, s5;
	p0 =	sne.s32 s5, $0x0  }
0xc: {  	p1 =	seq.s32 s5, $0x0;
	_ =	strace $0x80000047;
	[dreg:$0x5] =	wrdreg s9  }
0xd: {  	s7 =	sor.u32 s13, s7;
	s6 =	sadd.s32 s6, s1;
	[dreg:$0x6] =	wrdreg s17  }
0xe: {  	[dreg:$0x7] =	wrdreg s18;
	s20 =	sshrl.u32 s19, $0x1;
	s22 =	sshrl.u32 s10, $0x2  }
0xf: {  	s24 =	sshrl.u32 s11, $0x2;
	s18 =	simm.s32 $0x0;
	s8 =	smul.u32 $0x1388, s7  }
0x10: {  	s7 =	smul.u32 $0x4E2, s7;
	s21 =	ssub.s32 s19, s20;
	s15 =	sadd.s32 s22, s2  }
0x11: {  	s17 =	sadd.s32 s24, s3;
	s26 =	sadd.s32 $0xAE00, s6;
	s10 =	sadd.s32 $0xE00, s6  }
0x12: {  	s11 =	sadd.s32 s0, s25;
	s20 =	simm.s32 $0x7D;
	s25 =	simm.s32 $0xDE80  }
0x13: {  	s0 =	simm.s32 $0x4;
	[dreg:$0x8] =	wrdreg s26;
	s14 =	smax.u32 s21, $0x1  }
0x14: {  	s15 =	sshrl.u32 s15, $0x3;
	s17 =	sshrl.u32 s17, $0x3;
	s21 =	simm.s32 $0xA000  }
0x15: {  	s12 =	sadd.s32 s8, s1;
	s1 =	sadd.s32 s7, s1;
	s8 =	sor.u32 $0x1C05, s23  }
0x16: {  	s23 =	simm.s32 $0xBF40;
	s12 =	sadd.s32 $0x20800, s12;
	s13 =	sadd.s32 $0x16A00, s1  }
.LBB2_1:
0x17: {  	s1 =	rddreg [dreg:$0x5]  }
0x18: {  	[spmem:s15], [sflag:s8] =	dma.local [hbm:s1], $0x1388  }
0x19: {  	_ =	swait.ge [sflag:s16], $0x1388  }
0x1a: {  	[sflag:s16] =	ssyncset.done $0x0  }
0x1b: {  	s7 =	rddreg [dreg:$0x6];
	[sflag:s16] =	ssyncadd.s32 $0xFFFFEC78  }
0x1c: {  	[spmem:s17], [sflag:s8] =	dma.local [hbm:s7], $0x4E2  }
0x1d: {  	_ =	swait.ge [sflag:s16], $0x4E2  }
0x1e: {  	[sflag:s16] =	ssyncset.done $0x0  }
0x1f: {  	s5 =	simm.s32 $0x11D00;
	s9 =	rddreg [dreg:$0x7];
	[sflag:s16] =	ssyncadd.s32 $0xFFFFFB1E  }
0x20: {  	[tilespmem:s5], [sflag:$0x5] =	stream.linear.gather [hbm4b:s9+s4], $0x7D0, $0x38;
	[tilespmem:$0x1E870] =	vst v63  }
0x21: {  	_ =	swait.ge [sflag:s16], $0x7D0  }
0x22: {  	[sflag:s16] =	ssyncset.done $0x0  }
0x23: {  	s19 =	rddreg [dreg:$0x8];
	[sflag:s16] =	ssyncadd.s32 $0xFFFFF830  }
0x24: {  	[tilespmem:s4], [sflag:$0x5] =	stream.linear.gather [hbm4b:s19+s4], $0x5000, $0x38;
	[tilespmem:$0x1E870] =	vst v63  }
0x25: {  	_ =	swait.ge [sflag:s16], $0x5000  }
0x26: {  	[sflag:s16] =	ssyncset.done $0x0  }
0x27: {  	s22 =	simm.s32 $0x5000;
	[sflag:s16] =	ssyncadd.s32 $0xFFFFB000  }
0x28: {  	[tilespmem:s22], [sflag:$0x5] =	stream.linear.gather [hbm4b:s10+s4], $0x5000, $0x38;
	[tilespmem:$0x1E870] =	vst v63  }
0x29: {  	_ =	swait.ge [sflag:s16], $0x5000  }
0x2a: {  	[sflag:s16] =	ssyncset.done $0x0  }
0x2b: {  	[sflag:s16] =	ssyncadd.s32 $0xFFFFB000  }
0x2c: {  	[bflag:$0x0] =	sbarrier.arrive $0xFFFF  }
0x2d: {  	[tilespmem:s21], [sflag:$0x1] =	stream.indirect.gather [hbm4b:s11+s20], $0x40, s4, s20, $0xb8;
	[tilespmem:$0x1E870] =	vst v63  }
0x2e: {  	s24 =	simm.s32 $0x80  }
0x2f: {  	[tilespmem:s23], [sflag:$0x2] =	stream.indirect.gather [hbm4b:s11+s20], $0x40, s24, s20, $0xb8;
	[tilespmem:$0x1E870] =	vst v63  }
0x30: {  	s26 =	simm.s32 $0x100  }
0x31: {  	[tilespmem:s25], [sflag:$0x3] =	stream.indirect.gather [hbm4b:s11+s20], $0x40, s26, s20, $0xb8;
	[tilespmem:$0x1E870] =	vst v63  }
0x32: {  	s5 =	simm.s32 $0x180  }
0x33: {  	[tilespmem:s28], [sflag:$0x4] =	stream.indirect.gather [hbm4b:s11+s20], $0x40, s5, s20, $0xb8;
	[tilespmem:$0x1E870] =	vst v63  }
0x34: {  	_ =	swait.ge [sflag:s29], $0x1F40  }
0x35: {  	[sflag:s29] =	ssyncset.done $0x0  }
0x36: {  	s1 =	simm.s32 $0x5000;
	[sflag:s29] =	ssyncadd.s32 $0xFFFFE0C0  }
0x37: {  	[spmem:s2] =	stream.indirect.scatter.add.f32 [tilespmem:s21], [sflag:$0x5], $0x40, s1, s20, $0xb8;
	[tilespmem:$0x1E870] =	vst v63  }
0x38: {  	_ =	swait.ge [sflag:s16], $0x1F40  }
0x39: {  	s19 =	simm.s32 @!p0 $0x5;
	[sflag:s16] =	ssyncset.done $0x0  }
0x3a: {  	s22 =	simm.s32 @!p0 $0x7D;
	s24 =	simm.s32 @!p0 $0x11D00;
	[sflag:s16] =	ssyncadd.s32 $0xFFFFE0C0  }
0x3b: {  	[spmem:s3] =	stream.indirect.scatter.add.f32 @!p0 [tilespmem:s24], [sflag:$0x5], $0x10, s1, s22, $0xb8;
	[tilespmem:$0x1E870] =	vst v63  }
0x3c: {  	_ =	swait.ge @!p0 [sflag:s19], $0x7D0  }
0x3d: {  	[sflag:s19] =	ssyncset.done @!p0 $0x0  }
0x3e: {  	s6 =	simm.s32 $0x200;
	[sflag:s19] =	ssyncadd.s32 @!p0 $0xFFFFF830  }
0x3f: {  	[tilespmem:s21], [sflag:$0x1] =	stream.indirect.gather [hbm4b:s11+s20], $0x40, s6, s20, $0xb8;
	[tilespmem:$0x1E870] =	vst v63  }
0x40: {  	_ =	swait.ge [sflag:s30], $0x1F40  }
0x41: {  	[sflag:s30] =	ssyncset.done $0x0  }
0x42: {  	s6 =	simm.s32 $0x5080;
	[sflag:s30] =	ssyncadd.s32 $0xFFFFE0C0  }
0x43: {  	[spmem:s2] =	stream.indirect.scatter.add.f32 [tilespmem:s23], [sflag:$0x5], $0x40, s6, s20, $0xb8;
	[tilespmem:$0x1E870] =	vst v63  }
0x44: {  	_ =	swait.ge [sflag:s16], $0x1F40  }
0x45: {  	s26 =	simm.s32 @!p1 $0x5;
	[sflag:s16] =	ssyncset.done $0x0  }
0x46: {  	s5 =	simm.s32 @!p1 $0x11D00;
	s1 =	simm.s32 @!p1 $0x7D;
	[sflag:s16] =	ssyncadd.s32 $0xFFFFE0C0  }
0x47: {  	[spmem:s3] =	stream.indirect.scatter.add.f32 @!p1 [tilespmem:s5], [sflag:$0x5], $0x10, s6, s1, $0xb8;
	[tilespmem:$0x1E870] =	vst v63  }
0x48: {  	_ =	swait.ge @!p1 [sflag:s26], $0x7D0  }
0x49: {  	[sflag:s26] =	ssyncset.done @!p1 $0x0  }
0x4a: {  	s7 =	simm.s32 $0x280;
	[sflag:s26] =	ssyncadd.s32 @!p1 $0xFFFFF830  }
0x4b: {  	[tilespmem:s23], [sflag:$0x2] =	stream.indirect.gather [hbm4b:s11+s20], $0x40, s7, s20, $0xb8;
	[tilespmem:$0x1E870] =	vst v63  }
0x4c: {  	_ =	swait.ge [sflag:s31], $0x1F40  }
0x4d: {  	[sflag:s31] =	ssyncset.done $0x0  }
0x4e: {  	s6 =	simm.s32 $0x5100;
	[sflag:s31] =	ssyncadd.s32 $0xFFFFE0C0  }
0x4f: {  	[spmem:s2] =	stream.indirect.scatter.add.f32 [tilespmem:s25], [sflag:$0x5], $0x40, s6, s20, $0xb8;
	[tilespmem:$0x1E870] =	vst v63  }
0x50: {  	_ =	swait.ge [sflag:s16], $0x1F40  }
0x51: {  	[sflag:s16] =	ssyncset.done $0x0  }
0x52: {  	[sflag:s16] =	ssyncadd.s32 $0xFFFFE0C0  }
0x53: {  	[spmem:s3] =	stream.indirect.scatter.add.f32 @!p0 [tilespmem:s24], [sflag:$0x5], $0x10, s6, s22, $0xb8;
	[tilespmem:$0x1E870] =	vst v63  }
0x54: {  	_ =	swait.ge @!p0 [sflag:s19], $0x7D0  }
0x55: {  	[sflag:s19] =	ssyncset.done @!p0 $0x0  }
0x56: {  	s9 =	simm.s32 $0x300;
	[sflag:s19] =	ssyncadd.s32 @!p0 $0xFFFFF830  }
0x57: {  	[tilespmem:s25], [sflag:$0x3] =	stream.indirect.gather [hbm4b:s11+s20], $0x40, s9, s20, $0xb8;
	[tilespmem:$0x1E870] =	vst v63  }
0x58: {  	_ =	swait.ge [sflag:s0], $0x1F40  }
0x59: {  	[sflag:s0] =	ssyncset.done $0x0  }
0x5a: {  	s6 =	simm.s32 $0x5180;
	[sflag:s0] =	ssyncadd.s32 $0xFFFFE0C0  }
0x5b: {  	[spmem:s2] =	stream.indirect.scatter.add.f32 [tilespmem:s28], [sflag:$0x5], $0x40, s6, s20, $0xb8;
	[tilespmem:$0x1E870] =	vst v63  }
0x5c: {  	_ =	swait.ge [sflag:s16], $0x1F40  }
0x5d: {  	[sflag:s16] =	ssyncset.done $0x0  }
0x5e: {  	[sflag:s16] =	ssyncadd.s32 $0xFFFFE0C0  }
0x5f: {  	[spmem:s3] =	stream.indirect.scatter.add.f32 @!p1 [tilespmem:s5], [sflag:$0x5], $0x10, s6, s1, $0xb8;
	[tilespmem:$0x1E870] =	vst v63  }
0x60: {  	_ =	swait.ge @!p1 [sflag:s26], $0x7D0  }
0x61: {  	[sflag:s26] =	ssyncset.done @!p1 $0x0  }
0x62: {  	s7 =	simm.s32 $0x380;
	s6 =	simm.s32 $0x800;
	[sflag:s26] =	ssyncadd.s32 @!p1 $0xFFFFF830  }
.LBB2_2:
0x63: {  	[tilespmem:s28], [sflag:$0x4] =	stream.indirect.gather [hbm4b:s11+s20], $0x40, s7, s20, $0xb8;
	[tilespmem:$0x1E870] =	vst v63  }
0x64: {  	s7 =	smov.u32 s6;
	s6 =	sadd.s32 $0x800, s6;
	_ =	swait.ge [sflag:s29], $0x1F40  }
0x65: {  	s7 =	sshra.s32 s7, $0x2;
	p2 =	sne.s32 s6, $0x13800;
	[sflag:s29] =	ssyncset.done $0x0  }
0x66: {  	s9 =	sadd.s32 $0x5000, s7;
	[sflag:s29] =	ssyncadd.s32 $0xFFFFE0C0  }
0x67: {  	[spmem:s2] =	stream.indirect.scatter.add.f32 [tilespmem:s21], [sflag:$0x5], $0x40, s9, s20, $0xb8;
	[tilespmem:$0x1E870] =	vst v63  }
0x68: {  	_ =	swait.ge [sflag:s16], $0x1F40  }
0x69: {  	[sflag:s16] =	ssyncset.done $0x0  }
0x6a: {  	[sflag:s16] =	ssyncadd.s32 $0xFFFFE0C0  }
0x6b: {  	[spmem:s3] =	stream.indirect.scatter.add.f32 @!p0 [tilespmem:s24], [sflag:$0x5], $0x10, s9, s22, $0xb8;
	[tilespmem:$0x1E870] =	vst v63  }
0x6c: {  	_ =	swait.ge @!p0 [sflag:s19], $0x7D0  }
0x6d: {  	[sflag:s19] =	ssyncset.done @!p0 $0x0  }
0x6e: {  	s9 =	sadd.s32 $0x200, s7;
	[sflag:s19] =	ssyncadd.s32 @!p0 $0xFFFFF830  }
0x6f: {  	[tilespmem:s21], [sflag:$0x1] =	stream.indirect.gather [hbm4b:s11+s20], $0x40, s9, s20, $0xb8;
	[tilespmem:$0x1E870] =	vst v63  }
0x70: {  	_ =	swait.ge [sflag:s30], $0x1F40  }
0x71: {  	[sflag:s30] =	ssyncset.done $0x0  }
0x72: {  	s9 =	sadd.s32 $0x5080, s7;
	[sflag:s30] =	ssyncadd.s32 $0xFFFFE0C0  }
0x73: {  	[spmem:s2] =	stream.indirect.scatter.add.f32 [tilespmem:s23], [sflag:$0x5], $0x40, s9, s20, $0xb8;
	[tilespmem:$0x1E870] =	vst v63  }
0x74: {  	_ =	swait.ge [sflag:s16], $0x1F40  }
0x75: {  	[sflag:s16] =	ssyncset.done $0x0  }
0x76: {  	[sflag:s16] =	ssyncadd.s32 $0xFFFFE0C0  }
0x77: {  	[spmem:s3] =	stream.indirect.scatter.add.f32 @!p1 [tilespmem:s5], [sflag:$0x5], $0x10, s9, s1, $0xb8;
	[tilespmem:$0x1E870] =	vst v63  }
0x78: {  	_ =	swait.ge @!p1 [sflag:s26], $0x7D0  }
0x79: {  	[sflag:s26] =	ssyncset.done @!p1 $0x0  }
0x7a: {  	s9 =	sadd.s32 $0x280, s7;
	[sflag:s26] =	ssyncadd.s32 @!p1 $0xFFFFF830  }
0x7b: {  	[tilespmem:s23], [sflag:$0x2] =	stream.indirect.gather [hbm4b:s11+s20], $0x40, s9, s20, $0xb8;
	[tilespmem:$0x1E870] =	vst v63  }
0x7c: {  	_ =	swait.ge [sflag:s31], $0x1F40  }
0x7d: {  	[sflag:s31] =	ssyncset.done $0x0  }
0x7e: {  	s9 =	sadd.s32 $0x5100, s7;
	[sflag:s31] =	ssyncadd.s32 $0xFFFFE0C0  }
0x7f: {  	[spmem:s2] =	stream.indirect.scatter.add.f32 [tilespmem:s25], [sflag:$0x5], $0x40, s9, s20, $0xb8;
	[tilespmem:$0x1E870] =	vst v63  }
0x80: {  	_ =	swait.ge [sflag:s16], $0x1F40  }
0x81: {  	[sflag:s16] =	ssyncset.done $0x0  }
0x82: {  	[sflag:s16] =	ssyncadd.s32 $0xFFFFE0C0  }
0x83: {  	[spmem:s3] =	stream.indirect.scatter.add.f32 @!p0 [tilespmem:s24], [sflag:$0x5], $0x10, s9, s22, $0xb8;
	[tilespmem:$0x1E870] =	vst v63  }
0x84: {  	_ =	swait.ge @!p0 [sflag:s19], $0x7D0  }
0x85: {  	[sflag:s19] =	ssyncset.done @!p0 $0x0  }
0x86: {  	s9 =	sadd.s32 $0x300, s7;
	[sflag:s19] =	ssyncadd.s32 @!p0 $0xFFFFF830  }
0x87: {  	[tilespmem:s25], [sflag:$0x3] =	stream.indirect.gather [hbm4b:s11+s20], $0x40, s9, s20, $0xb8;
	[tilespmem:$0x1E870] =	vst v63  }
0x88: {  	_ =	swait.ge [sflag:s0], $0x1F40  }
0x89: {  	[sflag:s0] =	ssyncset.done $0x0  }
0x8a: {  	s9 =	sadd.s32 $0x5180, s7;
	[sflag:s0] =	ssyncadd.s32 $0xFFFFE0C0  }
0x8b: {  	[spmem:s2] =	stream.indirect.scatter.add.f32 [tilespmem:s28], [sflag:$0x5], $0x40, s9, s20, $0xb8;
	[tilespmem:$0x1E870] =	vst v63  }
0x8c: {  	_ =	swait.ge [sflag:s16], $0x1F40  }
0x8d: {  	[sflag:s16] =	ssyncset.done $0x0  }
.Ltmp0:
0x8e: {  	[sflag:s16] =	ssyncadd.s32 $0xFFFFE0C0;
	(pc) =	sbr.rel @p2 .LBB2_2-.Ltmp0, $4  }
0x8f: {  	[spmem:s3] =	stream.indirect.scatter.add.f32 @!p1 [tilespmem:s5], [sflag:$0x5], $0x10, s9, s1, $0xb8;
	[tilespmem:$0x1E870] =	vst v63  }
0x90: {  	_ =	swait.ge @!p1 [sflag:s26], $0x7D0  }
0x91: {  	[sflag:s26] =	ssyncset.done @!p1 $0x0  }
0x92: {  	s7 =	sadd.s32 $0x380, s7;
	[sflag:s26] =	ssyncadd.s32 @!p1 $0xFFFFF830  }
0x93: {  	[tilespmem:s28], [sflag:$0x4] =	stream.indirect.gather [hbm4b:s11+s20], $0x40, s7, s20, $0xb8;
	[tilespmem:$0x1E870] =	vst v63  }
0x94: {  	_ =	swait.ge [sflag:s29], $0x1F40  }
0x95: {  	[sflag:s29] =	ssyncset.done $0x0  }
0x96: {  	s1 =	simm.s32 $0x9E00;
	[sflag:s29] =	ssyncadd.s32 $0xFFFFE0C0  }
0x97: {  	[spmem:s2] =	stream.indirect.scatter.add.f32 [tilespmem:s21], [sflag:$0x5], $0x40, s1, s20, $0xb8;
	[tilespmem:$0x1E870] =	vst v63  }
0x98: {  	_ =	swait.ge [sflag:s16], $0x1F40  }
0x99: {  	[sflag:s16] =	ssyncset.done $0x0  }
0x9a: {  	s1 =	simm.s32 @p0 $0x2;
	[sflag:s16] =	ssyncadd.s32 $0xFFFFE0C0  }
0x9b: {  	_ =	swait.ge @p0 [sflag:s1], $0x1F40  }
0x9c: {  	s5 =	simm.s32 @p0 $0x9E80;
	[sflag:s1] =	ssyncset.done @p0 $0x0  }
0x9d: {  	s6 =	simm.s32 @p0 $0xBF40;
	[sflag:s1] =	ssyncadd.s32 @p0 $0xFFFFE0C0;
	s1 =	simm.s32 @p0 $0x7D  }
0x9e: {  	[spmem:s2] =	stream.indirect.scatter.add.f32 @p0 [tilespmem:s6], [sflag:$0x5], $0x40, s5, s1, $0xb8;
	[tilespmem:$0x1E870] =	vst v63  }
0x9f: {  	s6 =	simm.s32 @p0 $0x5  }
0xa0: {  	_ =	swait.ge @p0 [sflag:s6], $0x1F40  }
0xa1: {  	[sflag:s6] =	ssyncset.done @p0 $0x0  }
0xa2: {  	s7 =	simm.s32 @p0 $0x11D00;
	[sflag:s6] =	ssyncadd.s32 @p0 $0xFFFFE0C0  }
0xa3: {  	[spmem:s3] =	stream.indirect.scatter.add.f32 @p0 [tilespmem:s7], [sflag:$0x5], $0x10, s5, s1, $0xb8;
	[tilespmem:$0x1E870] =	vst v63  }
0xa4: {  	_ =	swait.ge @p0 [sflag:s6], $0x7D0  }
0xa5: {  	[sflag:s6] =	ssyncset.done @p0 $0x0  }
0xa6: {  	s5 =	simm.s32 @p0 $0x3;
	[sflag:s6] =	ssyncadd.s32 @p0 $0xFFFFF830  }
0xa7: {  	_ =	swait.ge @p0 [sflag:s5], $0x1F40  }
0xa8: {  	[sflag:s5] =	ssyncset.done @p0 $0x0  }
0xa9: {  	s9 =	simm.s32 @p0 $0xDE80;
	[sflag:s5] =	ssyncadd.s32 @p0 $0xFFFFE0C0;
	s5 =	simm.s32 @p0 $0x9F00  }
0xaa: {  	[spmem:s2] =	stream.indirect.scatter.add.f32 @p0 [tilespmem:s9], [sflag:$0x5], $0x40, s5, s1, $0xb8;
	[tilespmem:$0x1E870] =	vst v63  }
0xab: {  	_ =	swait.ge @p0 [sflag:s6], $0x1F40  }
0xac: {  	[sflag:s6] =	ssyncset.done @p0 $0x0  }
0xad: {  	s5 =	simm.s32 @p0 $0x4;
	[sflag:s6] =	ssyncadd.s32 @p0 $0xFFFFE0C0  }
0xae: {  	_ =	swait.ge @p0 [sflag:s5], $0x1F40  }
0xaf: {  	[sflag:s5] =	ssyncset.done @p0 $0x0  }
0xb0: {  	s9 =	simm.s32 @p0 $0xFDC0;
	[sflag:s5] =	ssyncadd.s32 @p0 $0xFFFFE0C0;
	s5 =	simm.s32 @p0 $0x9F80  }
0xb1: {  	[spmem:s2] =	stream.indirect.scatter.add.f32 @p0 [tilespmem:s9], [sflag:$0x5], $0x40, s5, s1, $0xb8;
	[tilespmem:$0x1E870] =	vst v63  }
0xb2: {  	_ =	swait.ge @p0 [sflag:s6], $0x1F40  }
0xb3: {  	[sflag:s6] =	ssyncset.done @p0 $0x0  }
0xb4: {  	[sflag:s6] =	ssyncadd.s32 @p0 $0xFFFFE0C0  }
0xb5: {  	[spmem:s3] =	stream.indirect.scatter.add.f32 @p0 [tilespmem:s7], [sflag:$0x5], $0x10, s5, s1, $0xb8;
	[tilespmem:$0x1E870] =	vst v63  }
0xb6: {  	_ =	swait.ge @p0 [sflag:s6], $0x7D0  }
0xb7: {  	[sflag:s6] =	ssyncset.done @p0 $0x0  }
0xb8: {  	s1 =	simm.s32 @!p0 $0x9E00;
	[sflag:s6] =	ssyncadd.s32 @p0 $0xFFFFF830  }
0xb9: {  	[spmem:s3] =	stream.indirect.scatter.add.f32 @!p0 [tilespmem:s24], [sflag:$0x5], $0x10, s1, s22, $0xb8;
	[tilespmem:$0x1E870] =	vst v63  }
0xba: {  	_ =	swait.ge @!p0 [sflag:s19], $0x7D0  }
0xbb: {  	[sflag:s19] =	ssyncset.done @!p0 $0x0  }
0xbc: {  	s1 =	simm.s32 @!p0 $0x2;
	[sflag:s19] =	ssyncadd.s32 @!p0 $0xFFFFF830  }
0xbd: {  	_ =	swait.ge @!p0 [sflag:s1], $0x1F40  }
0xbe: {  	[sflag:s1] =	ssyncset.done @!p0 $0x0  }
0xbf: {  	s5 =	simm.s32 @!p0 $0xBF40;
	[sflag:s1] =	ssyncadd.s32 @!p0 $0xFFFFE0C0;
	s1 =	simm.s32 @!p0 $0x9E80  }
0xc0: {  	[spmem:s2] =	stream.indirect.scatter.add.f32 @!p0 [tilespmem:s5], [sflag:$0x5], $0x40, s1, s22, $0xb8;
	[tilespmem:$0x1E870] =	vst v63  }
0xc1: {  	_ =	swait.ge @!p0 [sflag:s19], $0x1F40  }
0xc2: {  	[sflag:s19] =	ssyncset.done @!p0 $0x0  }
0xc3: {  	s1 =	simm.s32 @!p0 $0x3;
	[sflag:s19] =	ssyncadd.s32 @!p0 $0xFFFFE0C0  }
0xc4: {  	_ =	swait.ge @!p0 [sflag:s1], $0x1F40  }
0xc5: {  	[sflag:s1] =	ssyncset.done @!p0 $0x0  }
0xc6: {  	s5 =	simm.s32 @!p0 $0xDE80;
	[sflag:s1] =	ssyncadd.s32 @!p0 $0xFFFFE0C0;
	s1 =	simm.s32 @!p0 $0x9F00  }
0xc7: {  	[spmem:s2] =	stream.indirect.scatter.add.f32 @!p0 [tilespmem:s5], [sflag:$0x5], $0x40, s1, s22, $0xb8;
	[tilespmem:$0x1E870] =	vst v63  }
0xc8: {  	_ =	swait.ge @!p0 [sflag:s19], $0x1F40  }
0xc9: {  	[sflag:s19] =	ssyncset.done @!p0 $0x0  }
0xca: {  	[sflag:s19] =	ssyncadd.s32 @!p0 $0xFFFFE0C0  }
0xcb: {  	[spmem:s3] =	stream.indirect.scatter.add.f32 @!p0 [tilespmem:s24], [sflag:$0x5], $0x10, s1, s22, $0xb8;
	[tilespmem:$0x1E870] =	vst v63  }
0xcc: {  	_ =	swait.ge @!p0 [sflag:s19], $0x7D0  }
0xcd: {  	[sflag:s19] =	ssyncset.done @!p0 $0x0  }
0xce: {  	s1 =	simm.s32 @!p0 $0x4;
	[sflag:s19] =	ssyncadd.s32 @!p0 $0xFFFFF830  }
0xcf: {  	_ =	swait.ge @!p0 [sflag:s1], $0x1F40  }
0xd0: {  	[sflag:s1] =	ssyncset.done @!p0 $0x0  }
0xd1: {  	s5 =	simm.s32 @!p0 $0xFDC0;
	[sflag:s1] =	ssyncadd.s32 @!p0 $0xFFFFE0C0;
	s1 =	simm.s32 @!p0 $0x9F80  }
0xd2: {  	[spmem:s2] =	stream.indirect.scatter.add.f32 @!p0 [tilespmem:s5], [sflag:$0x5], $0x40, s1, s22, $0xb8;
	[tilespmem:$0x1E870] =	vst v63  }
0xd3: {  	_ =	swait.ge @!p0 [sflag:s19], $0x1F40  }
0xd4: {  	[sflag:s19] =	ssyncset.done @!p0 $0x0  }
0xd5: {  	[sflag:s19] =	ssyncadd.s32 @!p0 $0xFFFFE0C0  }
0xd6: {  	[bflag:$0x0] =	sbarrier.arrive $0xFFFF  }
0xd7: {  	[hbm:s12], [sflag:s8] =	dma.local [spmem:s15], $0x1388  }
0xd8: {  	s18 =	sadd.s32 $0x1, s18;
	_ =	swait.ge [sflag:s16], $0x1388  }
0xd9: {  	p2 =	sne.s32 s18, s14;
	[sflag:s16] =	ssyncset.done $0x0  }
.Ltmp1:
0xda: {  	[sflag:s16] =	ssyncadd.s32 $0xFFFFEC78;
	(pc) =	sbr.rel @p2 .LBB2_1-.Ltmp1, $4  }
0xdb: {  	[hbm:s13], [sflag:s8] =	dma.local [spmem:s17], $0x4E2  }
0xdc: {  	_ =	swait.ge [sflag:s16], $0x4E2  }
0xdd: {  	[sflag:s16] =	ssyncset.done $0x0  }
0xde: {  	[sflag:s16] =	ssyncadd.s32 $0xFFFFFB1E  }
0xdf: {  	_ =	sfence.sel $0x180000  }
0xe0: {  	[bflag:$0x0] =	sbarrier.arrive $0xFFFF  }
0xe1: {  	_ =	strace $0x90000047  }
0xe2: {  	s0 =	stileid.u32;
	[bflag:$0x2] =	sbarrier.arrive $0xFFFF  }
0xe3: {  	p0 =	sne.s32 s0, $0x0;
	s0 =	rddreg [dreg:$0x4]  }
0xe4: {  	s0 =	sadd.s32 @!p0 $0x100000, s0  }
0xe5: {  	[sflag:s0] =	ssyncadd.tile.s32 @!p0 $0x1;
	_ =	shalt  }
.Lfunc_end2:
_tile_overlayer_lowered:
.L_overlay_start_2:
0xe6: {  	(tag) =	ssettag $0x2  }
0xe7: {  	s0 =	rddreg [dreg:$0x0];
	s2 =	stileid.u32  }
0xe8: {  	s1 =	rddreg [dreg:$0x1];
	p0 =	sne.s32 s2, $0x0  }
0xe9: {  	s3 =	rddreg [dreg:$0x2];
	[bflag:$0x3] =	sbarrier.arrive $0xFFFF;
	s2 =	simm.s32 @!p0 $0x1C05  }
0xea: {  	[timem:s3], [sflag:s2] =	dma.local @!p0 [hbm:s0], s1  }
0xeb: {  	s0 =	simm.s32 @!p0 $0x5  }
0xec: {  	_ =	swait.ge @!p0 [sflag:s0], s1  }
0xed: {  	s1 =	ssub.s32 @!p0 $0x0, s1;
	[sflag:s0] =	ssyncset.done @!p0 $0x0  }
0xee: {  	[sflag:s0] =	ssyncadd.s32 @!p0 s1  }
0xef: {  	[bflag:$0x3] =	sbarrier.arrive $0xFFFF  }
0xf0: {  	_ =	shalt  }

</sc_bundles>
